<compile_context>
chip_gen: v7x
topology: tpu7x:2x2x1
jax: 0.10.2.dev20260603
libtpu: 0.0.44.dev20260713+nightly
codegen_flags: <defaults>
</compile_context>

<pallas_src>
import functools

import jax
import jax.numpy as jnp
from jax import lax
from jax.experimental import pallas as pl
from jax.experimental.pallas import tpu as pltpu
from jax.experimental.pallas import tpu_sc as plsc

E = 32
H = 16
HIST = 50
QW = 20

NC = 2
NS = 16
NW = NC * NS
CH = 128


def _make_sc_gather(n_rows: int, nbuf: int = 4):
    assert n_rows % (NW * CH) == 0
    n_ch = n_rows // (NW * CH)
    nbuf = min(nbuf, n_ch)
    assert n_ch % nbuf == 0
    per_w = n_rows // NW
    mesh = plsc.VectorSubcoreMesh(core_axis_name="c", subcore_axis_name="s")

    @functools.partial(
        pl.kernel,
        mesh=mesh,
        out_type=jax.ShapeDtypeStruct((n_rows, E), jnp.float32),
        scratch_types=[
            pltpu.VMEM((nbuf, CH), jnp.int32),
            pltpu.VMEM((nbuf, CH, E), jnp.float32),
            pltpu.SemaphoreType.DMA,
            pltpu.SemaphoreType.DMA,
        ],
        compiler_params=pltpu.CompilerParams(use_tc_tiling_on_sc=False),
    )
    def gather_k(table_hbm, idx_hbm, out_hbm, idx_v, rows_v, gsem, wsem):
        wid = lax.axis_index("s") * NC + lax.axis_index("c")
        base = wid * per_w

        def block(bi, carry):
            row0 = base + bi * (nbuf * CH)
            gathers = []
            for b in range(nbuf):
                pltpu.sync_copy(idx_hbm.at[pl.ds(row0 + b * CH, CH)], idx_v.at[b])
                gathers.append(
                    pltpu.async_copy(table_hbm.at[idx_v.at[b]], rows_v.at[b], gsem)
                )
            writes = []
            for b in range(nbuf):
                gathers[b].wait()
                writes.append(
                    pltpu.async_copy(
                        rows_v.at[b], out_hbm.at[pl.ds(row0 + b * CH, CH)], wsem
                    )
                )
            for w in writes:
                w.wait()
            return carry

        lax.fori_loop(0, n_ch // nbuf, block, 0)

    return gather_k


def _tc_combiner(ub3, w3, wq_t, bq2, wa_t, ba2, r_mat):
    b_total = ub3.shape[0]
    bb = 256
    grid = (b_total // bb,)

    def body(ub_ref, w_ref, wq_ref, bq_ref, wa_ref, ba_ref, r_ref, out_ref):
        ub = ub_ref[...]
        qmean = jnp.mean(w_ref[...], axis=1)
        q = jnp.tanh(
            jnp.dot(qmean, wq_ref[...], preferred_element_type=jnp.float32)
            + bq_ref[...]
        )
        pq = jnp.tanh(
            jnp.dot(q, wa_ref[...], preferred_element_type=jnp.float32)
            + ba_ref[...]
        )
        pqw = jnp.dot(pq, r_ref[...], preferred_element_type=jnp.float32)
        scores = jnp.sum(ub * pqw[:, None, :], axis=2)
        m = jnp.max(scores, axis=1, keepdims=True)
        e = jnp.exp(scores - m)
        w = e / jnp.sum(e, axis=1, keepdims=True)
        user = jnp.sum(w[:, :, None] * ub, axis=1)
        out_ref[...] = q + user

    return pl.pallas_call(
        body,
        grid=grid,
        in_specs=[
            pl.BlockSpec((bb, HIST, E), lambda i: (i, 0, 0)),
            pl.BlockSpec((bb, QW, E), lambda i: (i, 0, 0)),
            pl.BlockSpec((E, E), lambda i: (0, 0)),
            pl.BlockSpec((1, E), lambda i: (0, 0)),
            pl.BlockSpec((E, E * H), lambda i: (0, 0)),
            pl.BlockSpec((1, E * H), lambda i: (0, 0)),
            pl.BlockSpec((E * H, E), lambda i: (0, 0)),
        ],
        out_specs=pl.BlockSpec((bb, E), lambda i: (i, 0)),
        out_shape=jax.ShapeDtypeStruct((b_total, E), jnp.float32),
    )(ub3, w3, wq_t, bq2, wa_t, ba2, r_mat)


def kernel(user_bought_items, items, query_words, word_table, item_table,
           W_q, b_q, W_attn, b_attn, w_reduce):
    b_total = items.shape[0]
    ub_idx = user_bought_items.reshape(-1).astype(jnp.int32)
    qw_idx = query_words.reshape(-1).astype(jnp.int32)
    it_idx = items.astype(jnp.int32)

    ub_rows = _make_sc_gather(b_total * HIST)(item_table, ub_idx)
    w_rows = _make_sc_gather(b_total * QW)(word_table, qw_idx)
    item_emb = _make_sc_gather(b_total)(item_table, it_idx)

    r_mat = jnp.kron(jnp.eye(E, dtype=jnp.float32), w_reduce[0][:, None])
    pm = _tc_combiner(
        ub_rows.reshape(b_total, HIST, E),
        w_rows.reshape(b_total, QW, E),
        W_q.T,
        b_q[None, :],
        W_attn.T,
        b_attn[None, :],
        r_mat,
    )
    return (pm, item_emb)

# --- scband reference (transcript-rebuilt; emitter-appended) ---
"""Pipeline reference for scband-aem-33543694581912 (READ-ONLY COPY).

The authoritative reference and input builder live on the scoring server;
editing this copy changes nothing except your own understanding.
"""

import jax, jax.numpy as jnp
import numpy as np

WORD_NUM = 1000000
ITEM_NUM = 1000000
E = 32
H = 16
B = 16384
HIST = 50
QW = 20


def setup_inputs(seed: int = 0) -> dict:
    key = jax.random.key(seed)
    ks = jax.random.split(key, 10)
    word_table = jax.random.normal(ks[3], (WORD_NUM, E), dtype=jnp.float32) * 0.1
    word_table = word_table.at[0].set(0.0)  # padding_idx=0
    item_table = jax.random.normal(ks[4], (ITEM_NUM + 1, E), dtype=jnp.float32) * 0.1
    item_table = item_table.at[0].set(0.0)  # padding_idx=0
    return {
        "user_bought_items": jax.random.randint(ks[0], (B, HIST), 0, ITEM_NUM + 1, dtype=jnp.int64 if jax.config.jax_enable_x64 else jnp.int32),
        "items": jax.random.randint(ks[1], (B,), 0, ITEM_NUM + 1, dtype=jnp.int64 if jax.config.jax_enable_x64 else jnp.int32),
        "query_words": jax.random.randint(ks[2], (B, QW), 0, WORD_NUM, dtype=jnp.int64 if jax.config.jax_enable_x64 else jnp.int32),
        "word_table": word_table,
        "item_table": item_table,
        "W_q": jax.random.normal(ks[5], (E, E), dtype=jnp.float32) * (1.0 / np.sqrt(E)),
        "b_q": jax.random.uniform(ks[6], (E,), dtype=jnp.float32, minval=0.0, maxval=0.1),
        "W_attn": jax.random.normal(ks[7], (E * H, E), dtype=jnp.float32) * (1.0 / np.sqrt(E)),
        "b_attn": jax.random.uniform(ks[8], (E * H,), dtype=jnp.float32, minval=0.0, maxval=0.01),
        "w_reduce": jax.random.normal(ks[9], (1, H), dtype=jnp.float32) * (1.0 / np.sqrt(H)),
    }


def reference(user_bought_items, items, query_words, word_table, item_table, W_q, b_q, W_attn, b_attn, w_reduce):
    # mode == 'test'
    # item embedding lookups
    item_embeddings = jnp.take(item_table, items, axis=0)                 # [B, E]
    user_bought_embeddings = jnp.take(item_table, user_bought_items, axis=0)  # [B, HIST, E]
    # query embedding: mean of word embeddings then projected
    query_word_emb = jnp.take(word_table, query_words, axis=0)            # [B, QW, E]
    query_embeddings = jnp.mean(query_word_emb, axis=1)                   # [B, E]
    query_embeddings = jnp.tanh(query_embeddings @ W_q.T + b_q)           # [B, E]
    # AttentionLayer (model_name == 'AEM')
    projected_query = jnp.tanh(query_embeddings @ W_attn.T + b_attn)      # [B, E*H]
    projected_query = projected_query.reshape(B, E, H)                    # [B, E, H]
    items_query_dotted_sum = jnp.einsum('bri,bih->brh', user_bought_embeddings, projected_query)  # [B, HIST, H]
    attention_score = items_query_dotted_sum @ w_reduce.T                 # [B, HIST, 1]
    weight = jax.nn.softmax(attention_score, axis=1)                      # [B, HIST, 1]
    user_embeddings = jnp.sum(weight * user_bought_embeddings, axis=1)    # [B, E]
    personalized_model = query_embeddings + user_embeddings               # [B, E]
    return (personalized_model, item_embeddings)

if __name__ == "__main__":
    import jax
    _d = setup_inputs()
    print(jax.jit(kernel)(*tuple(_d.values())))

</pallas_src>

<mosaic_0001>
#map = affine_map<(d0, d1) -> (0, 0)>
#map1 = affine_map<(d0, d1) -> (0)>
module attributes {stable_mosaic.version = 14 : i64} {
  func.func @gather_k(%arg0: i32, %arg1: i32, %arg2: memref<1000001x32xf32, #tpu.memory_space<hbm>>, %arg3: memref<819200xi32, #tpu.memory_space<hbm>>, %arg4: memref<819200x32xf32, #tpu.memory_space<hbm>>, %arg5: memref<4x128xi32, #tpu.memory_space<vmem>>, %arg6: memref<4x128x32xf32, #tpu.memory_space<vmem>>, %arg7: memref<!tpu.dma_semaphore, #tpu.memory_space<semaphore_mem>>, %arg8: memref<!tpu.dma_semaphore, #tpu.memory_space<semaphore_mem>>) attributes {dimension_semantics = [#tpu.dimension_semantics<core_parallel>, #tpu.dimension_semantics<subcore_parallel>], iteration_bounds = array<i64: 2, 16>, scalar_prefetch = 0 : i64, scratch_operands = 4 : i64, tpu.core_type = #tpu.core_type<sc_vector_subcore>, window_params = [{transform_indices = #map}, {transform_indices = #map1}, {transform_indices = #map}]} {
    %mul3A = arith.constant 2 : i32
    %mul3A_0 = arith.muli %arg1, %mul3A : i32
    %add3A = arith.addi %mul3A_0, %arg0 : i32
    %mul3A_1 = arith.constant 25600 : i32
    %mul3A_2 = arith.muli %add3A, %mul3A_1 : i32
    %scan3A = arith.constant 0 : i32
    %scan3A_3 = arith.constant 0 : i32
    %scan3A_4 = arith.constant 50 : i32
    %scan3A_5 = arith.addi %scan3A_3, %scan3A_4 : i32
    %scan3A_6 = arith.constant 1 : i32
    scf.for %scan3A_8 = %scan3A_3 to %scan3A_5 step %scan3A_6  : i32 {
      %mul3A_9 = arith.constant 512 : i32
      %mul3A_10 = arith.muli %scan3A_8, %mul3A_9 : i32
      %add3A_11 = arith.addi %mul3A_2, %mul3A_10 : i32
      %add3A_12 = arith.constant 0 : i32
      %add3A_13 = arith.addi %add3A_11, %add3A_12 : i32
      %run_scoped3A = arith.constant 0 : i32
      "tpu.region"() ({
        %run_scoped3A_229 = tpu.sem_alloc : memref<!tpu.dma_semaphore, #tpu.memory_space<semaphore_mem>>
        %dma_start3A_230 = arith.constant 0 : i32
        %dma_start3A_231 = tpu.memref_slice %arg5[%run_scoped3A, %dma_start3A_230] : memref<4x128xi32, #tpu.memory_space<vmem>> -> memref<1x128xi32, #tpu.memory_space<vmem>>
        %dma_start3A_232 = tpu.memref_squeeze %dma_start3A_231 : memref<1x128xi32, #tpu.memory_space<vmem>> -> memref<128xi32, #tpu.memory_space<vmem>>
        %dma_start3A_233 = tpu.memref_slice %arg3[%add3A_13] : memref<819200xi32, #tpu.memory_space<hbm>> -> memref<128xi32, #tpu.memory_space<hbm>>
        %dma_start3A_234 = arith.constant 0 : i32
        %dma_start3A_235 = tpu.memref_slice %arg5[%run_scoped3A, %dma_start3A_234] : memref<4x128xi32, #tpu.memory_space<vmem>> -> memref<1x128xi32, #tpu.memory_space<vmem>>
        %dma_start3A_236 = tpu.memref_squeeze %dma_start3A_235 : memref<1x128xi32, #tpu.memory_space<vmem>> -> memref<128xi32, #tpu.memory_space<vmem>>
        %dma_start3A_237 = tpu.memref_slice %arg3[%add3A_13] : memref<819200xi32, #tpu.memory_space<hbm>> -> memref<128xi32, #tpu.memory_space<hbm>>
        tpu.enqueue_dma source(%dma_start3A_237 : memref<128xi32, #tpu.memory_space<hbm>>) target(%dma_start3A_236 : memref<128xi32, #tpu.memory_space<vmem>>) target_semaphore(%run_scoped3A_229 : memref<!tpu.dma_semaphore, #tpu.memory_space<semaphore_mem>>)
        %dma_wait3A_238 = arith.constant 0 : i32
        %dma_wait3A_239 = tpu.memref_slice %arg5[%run_scoped3A, %dma_wait3A_238] : memref<4x128xi32, #tpu.memory_space<vmem>> -> memref<1x128xi32, #tpu.memory_space<vmem>>
        %dma_wait3A_240 = tpu.memref_squeeze %dma_wait3A_239 : memref<1x128xi32, #tpu.memory_space<vmem>> -> memref<128xi32, #tpu.memory_space<vmem>>
        %dma_wait3A_241 = tpu.memref_slice %arg3[%add3A_13] : memref<819200xi32, #tpu.memory_space<hbm>> -> memref<128xi32, #tpu.memory_space<hbm>>
        %dma_wait3A_242 = arith.constant 0 : i32
        %dma_wait3A_243 = tpu.memref_slice %arg5[%run_scoped3A, %dma_wait3A_242] : memref<4x128xi32, #tpu.memory_space<vmem>> -> memref<1x128xi32, #tpu.memory_space<vmem>>
        %dma_wait3A_244 = tpu.memref_squeeze %dma_wait3A_243 : memref<1x128xi32, #tpu.memory_space<vmem>> -> memref<128xi32, #tpu.memory_space<vmem>>
        %dma_wait3A_245 = tpu.memref_slice %arg3[%add3A_13] : memref<819200xi32, #tpu.memory_space<hbm>> -> memref<128xi32, #tpu.memory_space<hbm>>
        tpu.wait_dma2 semaphore(%run_scoped3A_229 : memref<!tpu.dma_semaphore, #tpu.memory_space<semaphore_mem>>) src(%dma_wait3A_245 : memref<128xi32, #tpu.memory_space<hbm>>) dst(%dma_wait3A_244 : memref<128xi32, #tpu.memory_space<vmem>>)
        tpu.yield
      }) : () -> ()
      %dma_start3A = arith.constant 0 : i32
      %dma_start3A_14 = arith.constant 0 : i32
      %dma_start3A_15 = arith.constant 0 : i32
      %dma_start3A_16 = arith.constant 0 : i32
      %dma_start3A_17 = tpu.memref_slice %arg6[%dma_start3A_14, %dma_start3A_15, %dma_start3A_16] : memref<4x128x32xf32, #tpu.memory_space<vmem>> -> memref<1x128x32xf32, #tpu.memory_space<vmem>>
      %dma_start3A_18 = tpu.memref_squeeze %dma_start3A_17 : memref<1x128x32xf32, #tpu.memory_space<vmem>> -> memref<128x32xf32, #tpu.memory_space<vmem>>
      %dma_start3A_19 = arith.constant 0 : i32
      %dma_start3A_20 = tpu.memref_slice %arg5[%dma_start3A, %dma_start3A_19] : memref<4x128xi32, #tpu.memory_space<vmem>> -> memref<1x128xi32, #tpu.memory_space<vmem>>
      %dma_start3A_21 = tpu.memref_squeeze %dma_start3A_20 : memref<1x128xi32, #tpu.memory_space<vmem>> -> memref<128xi32, #tpu.memory_space<vmem>>
      %dma_start3A_22 = arith.constant 0 : i32
      %dma_start3A_23 = arith.constant 0 : i32
      %dma_start3A_24 = tpu.memref_slice %arg2[%dma_start3A_22, %dma_start3A_23] : memref<1000001x32xf32, #tpu.memory_space<hbm>> -> memref<1000001x32xf32, #tpu.memory_space<hbm>>
      tpu.enqueue_indirect_dma source(%dma_start3A_24 : memref<1000001x32xf32, #tpu.memory_space<hbm>>) target(%dma_start3A_18 : memref<128x32xf32, #tpu.memory_space<vmem>>) offsets(%dma_start3A_21 : memref<128xi32, #tpu.memory_space<vmem>>) semaphore(%arg7 : memref<!tpu.dma_semaphore, #tpu.memory_space<semaphore_mem>>)
      %add3A_25 = arith.constant 128 : i32
      %add3A_26 = arith.addi %add3A_11, %add3A_25 : i32
      %run_scoped3A_27 = arith.constant 1 : i32
      "tpu.region"() ({
        %run_scoped3A_229 = tpu.sem_alloc : memref<!tpu.dma_semaphore, #tpu.memory_space<semaphore_mem>>
        %dma_start3A_230 = arith.constant 0 : i32
        %dma_start3A_231 = tpu.memref_slice %arg5[%run_scoped3A_27, %dma_start3A_230] : memref<4x128xi32, #tpu.memory_space<vmem>> -> memref<1x128xi32, #tpu.memory_space<vmem>>
        %dma_start3A_232 = tpu.memref_squeeze %dma_start3A_231 : memref<1x128xi32, #tpu.memory_space<vmem>> -> memref<128xi32, #tpu.memory_space<vmem>>
        %dma_start3A_233 = tpu.memref_slice %arg3[%add3A_26] : memref<819200xi32, #tpu.memory_space<hbm>> -> memref<128xi32, #tpu.memory_space<hbm>>
        %dma_start3A_234 = arith.constant 0 : i32
        %dma_start3A_235 = tpu.memref_slice %arg5[%run_scoped3A_27, %dma_start3A_234] : memref<4x128xi32, #tpu.memory_space<vmem>> -> memref<1x128xi32, #tpu.memory_space<vmem>>
        %dma_start3A_236 = tpu.memref_squeeze %dma_start3A_235 : memref<1x128xi32, #tpu.memory_space<vmem>> -> memref<128xi32, #tpu.memory_space<vmem>>
        %dma_start3A_237 = tpu.memref_slice %arg3[%add3A_26] : memref<819200xi32, #tpu.memory_space<hbm>> -> memref<128xi32, #tpu.memory_space<hbm>>
        tpu.enqueue_dma source(%dma_start3A_237 : memref<128xi32, #tpu.memory_space<hbm>>) target(%dma_start3A_236 : memref<128xi32, #tpu.memory_space<vmem>>) target_semaphore(%run_scoped3A_229 : memref<!tpu.dma_semaphore, #tpu.memory_space<semaphore_mem>>)
        %dma_wait3A_238 = arith.constant 0 : i32
        %dma_wait3A_239 = tpu.memref_slice %arg5[%run_scoped3A_27, %dma_wait3A_238] : memref<4x128xi32, #tpu.memory_space<vmem>> -> memref<1x128xi32, #tpu.memory_space<vmem>>
        %dma_wait3A_240 = tpu.memref_squeeze %dma_wait3A_239 : memref<1x128xi32, #tpu.memory_space<vmem>> -> memref<128xi32, #tpu.memory_space<vmem>>
        %dma_wait3A_241 = tpu.memref_slice %arg3[%add3A_26] : memref<819200xi32, #tpu.memory_space<hbm>> -> memref<128xi32, #tpu.memory_space<hbm>>
        %dma_wait3A_242 = arith.constant 0 : i32
        %dma_wait3A_243 = tpu.memref_slice %arg5[%run_scoped3A_27, %dma_wait3A_242] : memref<4x128xi32, #tpu.memory_space<vmem>> -> memref<1x128xi32, #tpu.memory_space<vmem>>
        %dma_wait3A_244 = tpu.memref_squeeze %dma_wait3A_243 : memref<1x128xi32, #tpu.memory_space<vmem>> -> memref<128xi32, #tpu.memory_space<vmem>>
        %dma_wait3A_245 = tpu.memref_slice %arg3[%add3A_26] : memref<819200xi32, #tpu.memory_space<hbm>> -> memref<128xi32, #tpu.memory_space<hbm>>
        tpu.wait_dma2 semaphore(%run_scoped3A_229 : memref<!tpu.dma_semaphore, #tpu.memory_space<semaphore_mem>>) src(%dma_wait3A_245 : memref<128xi32, #tpu.memory_space<hbm>>) dst(%dma_wait3A_244 : memref<128xi32, #tpu.memory_space<vmem>>)
        tpu.yield
      }) : () -> ()
      %dma_start3A_28 = arith.constant 1 : i32
      %dma_start3A_29 = arith.constant 1 : i32
      %dma_start3A_30 = arith.constant 0 : i32
      %dma_start3A_31 = arith.constant 0 : i32
      %dma_start3A_32 = tpu.memref_slice %arg6[%dma_start3A_29, %dma_start3A_30, %dma_start3A_31] : memref<4x128x32xf32, #tpu.memory_space<vmem>> -> memref<1x128x32xf32, #tpu.memory_space<vmem>>
      %dma_start3A_33 = tpu.memref_squeeze %dma_start3A_32 : memref<1x128x32xf32, #tpu.memory_space<vmem>> -> memref<128x32xf32, #tpu.memory_space<vmem>>
      %dma_start3A_34 = arith.constant 0 : i32
      %dma_start3A_35 = tpu.memref_slice %arg5[%dma_start3A_28, %dma_start3A_34] : memref<4x128xi32, #tpu.memory_space<vmem>> -> memref<1x128xi32, #tpu.memory_space<vmem>>
      %dma_start3A_36 = tpu.memref_squeeze %dma_start3A_35 : memref<1x128xi32, #tpu.memory_space<vmem>> -> memref<128xi32, #tpu.memory_space<vmem>>
      %dma_start3A_37 = arith.constant 0 : i32
      %dma_start3A_38 = arith.constant 0 : i32
      %dma_start3A_39 = tpu.memref_slice %arg2[%dma_start3A_37, %dma_start3A_38] : memref<1000001x32xf32, #tpu.memory_space<hbm>> -> memref<1000001x32xf32, #tpu.memory_space<hbm>>
      tpu.enqueue_indirect_dma source(%dma_start3A_39 : memref<1000001x32xf32, #tpu.memory_space<hbm>>) target(%dma_start3A_33 : memref<128x32xf32, #tpu.memory_space<vmem>>) offsets(%dma_start3A_36 : memref<128xi32, #tpu.memory_space<vmem>>) semaphore(%arg7 : memref<!tpu.dma_semaphore, #tpu.memory_space<semaphore_mem>>)
      %add3A_40 = arith.constant 256 : i32
      %add3A_41 = arith.addi %add3A_11, %add3A_40 : i32
      %run_scoped3A_42 = arith.constant 2 : i32
      "tpu.region"() ({
        %run_scoped3A_229 = tpu.sem_alloc : memref<!tpu.dma_semaphore, #tpu.memory_space<semaphore_mem>>
        %dma_start3A_230 = arith.constant 0 : i32
        %dma_start3A_231 = tpu.memref_slice %arg5[%run_scoped3A_42, %dma_start3A_230] : memref<4x128xi32, #tpu.memory_space<vmem>> -> memref<1x128xi32, #tpu.memory_space<vmem>>
        %dma_start3A_232 = tpu.memref_squeeze %dma_start3A_231 : memref<1x128xi32, #tpu.memory_space<vmem>> -> memref<128xi32, #tpu.memory_space<vmem>>
        %dma_start3A_233 = tpu.memref_slice %arg3[%add3A_41] : memref<819200xi32, #tpu.memory_space<hbm>> -> memref<128xi32, #tpu.memory_space<hbm>>
        %dma_start3A_234 = arith.constant 0 : i32
        %dma_start3A_235 = tpu.memref_slice %arg5[%run_scoped3A_42, %dma_start3A_234] : memref<4x128xi32, #tpu.memory_space<vmem>> -> memref<1x128xi32, #tpu.memory_space<vmem>>
        %dma_start3A_236 = tpu.memref_squeeze %dma_start3A_235 : memref<1x128xi32, #tpu.memory_space<vmem>> -> memref<128xi32, #tpu.memory_space<vmem>>
        %dma_start3A_237 = tpu.memref_slice %arg3[%add3A_41] : memref<819200xi32, #tpu.memory_space<hbm>> -> memref<128xi32, #tpu.memory_space<hbm>>
        tpu.enqueue_dma source(%dma_start3A_237 : memref<128xi32, #tpu.memory_space<hbm>>) target(%dma_start3A_236 : memref<128xi32, #tpu.memory_space<vmem>>) target_semaphore(%run_scoped3A_229 : memref<!tpu.dma_semaphore, #tpu.memory_space<semaphore_mem>>)
        %dma_wait3A_238 = arith.constant 0 : i32
        %dma_wait3A_239 = tpu.memref_slice %arg5[%run_scoped3A_42, %dma_wait3A_238] : memref<4x128xi32, #tpu.memory_space<vmem>> -> memref<1x128xi32, #tpu.memory_space<vmem>>
        %dma_wait3A_240 = tpu.memref_squeeze %dma_wait3A_239 : memref<1x128xi32, #tpu.memory_space<vmem>> -> memref<128xi32, #tpu.memory_space<vmem>>
        %dma_wait3A_241 = tpu.memref_slice %arg3[%add3A_41] : memref<819200xi32, #tpu.memory_space<hbm>> -> memref<128xi32, #tpu.memory_space<hbm>>
        %dma_wait3A_242 = arith.constant 0 : i32
        %dma_wait3A_243 = tpu.memref_slice %arg5[%run_scoped3A_42, %dma_wait3A_242] : memref<4x128xi32, #tpu.memory_space<vmem>> -> memref<1x128xi32, #tpu.memory_space<vmem>>
        %dma_wait3A_244 = tpu.memref_squeeze %dma_wait3A_243 : memref<1x128xi32, #tpu.memory_space<vmem>> -> memref<128xi32, #tpu.memory_space<vmem>>
        %dma_wait3A_245 = tpu.memref_slice %arg3[%add3A_41] : memref<819200xi32, #tpu.memory_space<hbm>> -> memref<128xi32, #tpu.memory_space<hbm>>
        tpu.wait_dma2 semaphore(%run_scoped3A_229 : memref<!tpu.dma_semaphore, #tpu.memory_space<semaphore_mem>>) src(%dma_wait3A_245 : memref<128xi32, #tpu.memory_space<hbm>>) dst(%dma_wait3A_244 : memref<128xi32, #tpu.memory_space<vmem>>)
        tpu.yield
      }) : () -> ()
      %dma_start3A_43 = arith.constant 2 : i32
      %dma_start3A_44 = arith.constant 2 : i32
      %dma_start3A_45 = arith.constant 0 : i32
      %dma_start3A_46 = arith.constant 0 : i32
      %dma_start3A_47 = tpu.memref_slice %arg6[%dma_start3A_44, %dma_start3A_45, %dma_start3A_46] : memref<4x128x32xf32, #tpu.memory_space<vmem>> -> memref<1x128x32xf32, #tpu.memory_space<vmem>>
      %dma_start3A_48 = tpu.memref_squeeze %dma_start3A_47 : memref<1x128x32xf32, #tpu.memory_space<vmem>> -> memref<128x32xf32, #tpu.memory_space<vmem>>
      %dma_start3A_49 = arith.constant 0 : i32
      %dma_start3A_50 = tpu.memref_slice %arg5[%dma_start3A_43, %dma_start3A_49] : memref<4x128xi32, #tpu.memory_space<vmem>> -> memref<1x128xi32, #tpu.memory_space<vmem>>
      %dma_start3A_51 = tpu.memref_squeeze %dma_start3A_50 : memref<1x128xi32, #tpu.memory_space<vmem>> -> memref<128xi32, #tpu.memory_space<vmem>>
      %dma_start3A_52 = arith.constant 0 : i32
      %dma_start3A_53 = arith.constant 0 : i32
      %dma_start3A_54 = tpu.memref_slice %arg2[%dma_start3A_52, %dma_start3A_53] : memref<1000001x32xf32, #tpu.memory_space<hbm>> -> memref<1000001x32xf32, #tpu.memory_space<hbm>>
      tpu.enqueue_indirect_dma source(%dma_start3A_54 : memref<1000001x32xf32, #tpu.memory_space<hbm>>) target(%dma_start3A_48 : memref<128x32xf32, #tpu.memory_space<vmem>>) offsets(%dma_start3A_51 : memref<128xi32, #tpu.memory_space<vmem>>) semaphore(%arg7 : memref<!tpu.dma_semaphore, #tpu.memory_space<semaphore_mem>>)
      %add3A_55 = arith.constant 384 : i32
      %add3A_56 = arith.addi %add3A_11, %add3A_55 : i32
      %run_scoped3A_57 = arith.constant 3 : i32
      "tpu.region"() ({
        %run_scoped3A_229 = tpu.sem_alloc : memref<!tpu.dma_semaphore, #tpu.memory_space<semaphore_mem>>
        %dma_start3A_230 = arith.constant 0 : i32
        %dma_start3A_231 = tpu.memref_slice %arg5[%run_scoped3A_57, %dma_start3A_230] : memref<4x128xi32, #tpu.memory_space<vmem>> -> memref<1x128xi32, #tpu.memory_space<vmem>>
        %dma_start3A_232 = tpu.memref_squeeze %dma_start3A_231 : memref<1x128xi32, #tpu.memory_space<vmem>> -> memref<128xi32, #tpu.memory_space<vmem>>
        %dma_start3A_233 = tpu.memref_slice %arg3[%add3A_56] : memref<819200xi32, #tpu.memory_space<hbm>> -> memref<128xi32, #tpu.memory_space<hbm>>
        %dma_start3A_234 = arith.constant 0 : i32
        %dma_start3A_235 = tpu.memref_slice %arg5[%run_scoped3A_57, %dma_start3A_234] : memref<4x128xi32, #tpu.memory_space<vmem>> -> memref<1x128xi32, #tpu.memory_space<vmem>>
        %dma_start3A_236 = tpu.memref_squeeze %dma_start3A_235 : memref<1x128xi32, #tpu.memory_space<vmem>> -> memref<128xi32, #tpu.memory_space<vmem>>
        %dma_start3A_237 = tpu.memref_slice %arg3[%add3A_56] : memref<819200xi32, #tpu.memory_space<hbm>> -> memref<128xi32, #tpu.memory_space<hbm>>
        tpu.enqueue_dma source(%dma_start3A_237 : memref<128xi32, #tpu.memory_space<hbm>>) target(%dma_start3A_236 : memref<128xi32, #tpu.memory_space<vmem>>) target_semaphore(%run_scoped3A_229 : memref<!tpu.dma_semaphore, #tpu.memory_space<semaphore_mem>>)
        %dma_wait3A_238 = arith.constant 0 : i32
        %dma_wait3A_239 = tpu.memref_slice %arg5[%run_scoped3A_57, %dma_wait3A_238] : memref<4x128xi32, #tpu.memory_space<vmem>> -> memref<1x128xi32, #tpu.memory_space<vmem>>
        %dma_wait3A_240 = tpu.memref_squeeze %dma_wait3A_239 : memref<1x128xi32, #tpu.memory_space<vmem>> -> memref<128xi32, #tpu.memory_space<vmem>>
        %dma_wait3A_241 = tpu.memref_slice %arg3[%add3A_56] : memref<819200xi32, #tpu.memory_space<hbm>> -> memref<128xi32, #tpu.memory_space<hbm>>
        %dma_wait3A_242 = arith.constant 0 : i32
        %dma_wait3A_243 = tpu.memref_slice %arg5[%run_scoped3A_57, %dma_wait3A_242] : memref<4x128xi32, #tpu.memory_space<vmem>> -> memref<1x128xi32, #tpu.memory_space<vmem>>
        %dma_wait3A_244 = tpu.memref_squeeze %dma_wait3A_243 : memref<1x128xi32, #tpu.memory_space<vmem>> -> memref<128xi32, #tpu.memory_space<vmem>>
        %dma_wait3A_245 = tpu.memref_slice %arg3[%add3A_56] : memref<819200xi32, #tpu.memory_space<hbm>> -> memref<128xi32, #tpu.memory_space<hbm>>
        tpu.wait_dma2 semaphore(%run_scoped3A_229 : memref<!tpu.dma_semaphore, #tpu.memory_space<semaphore_mem>>) src(%dma_wait3A_245 : memref<128xi32, #tpu.memory_space<hbm>>) dst(%dma_wait3A_244 : memref<128xi32, #tpu.memory_space<vmem>>)
        tpu.yield
      }) : () -> ()
      %dma_start3A_58 = arith.constant 3 : i32
      %dma_start3A_59 = arith.constant 3 : i32
      %dma_start3A_60 = arith.constant 0 : i32
      %dma_start3A_61 = arith.constant 0 : i32
      %dma_start3A_62 = tpu.memref_slice %arg6[%dma_start3A_59, %dma_start3A_60, %dma_start3A_61] : memref<4x128x32xf32, #tpu.memory_space<vmem>> -> memref<1x128x32xf32, #tpu.memory_space<vmem>>
      %dma_start3A_63 = tpu.memref_squeeze %dma_start3A_62 : memref<1x128x32xf32, #tpu.memory_space<vmem>> -> memref<128x32xf32, #tpu.memory_space<vmem>>
      %dma_start3A_64 = arith.constant 0 : i32
      %dma_start3A_65 = tpu.memref_slice %arg5[%dma_start3A_58, %dma_start3A_64] : memref<4x128xi32, #tpu.memory_space<vmem>> -> memref<1x128xi32, #tpu.memory_space<vmem>>
      %dma_start3A_66 = tpu.memref_squeeze %dma_start3A_65 : memref<1x128xi32, #tpu.memory_space<vmem>> -> memref<128xi32, #tpu.memory_space<vmem>>
      %dma_start3A_67 = arith.constant 0 : i32
      %dma_start3A_68 = arith.constant 0 : i32
      %dma_start3A_69 = tpu.memref_slice %arg2[%dma_start3A_67, %dma_start3A_68] : memref<1000001x32xf32, #tpu.memory_space<hbm>> -> memref<1000001x32xf32, #tpu.memory_space<hbm>>
      tpu.enqueue_indirect_dma source(%dma_start3A_69 : memref<1000001x32xf32, #tpu.memory_space<hbm>>) target(%dma_start3A_63 : memref<128x32xf32, #tpu.memory_space<vmem>>) offsets(%dma_start3A_66 : memref<128xi32, #tpu.memory_space<vmem>>) semaphore(%arg7 : memref<!tpu.dma_semaphore, #tpu.memory_space<semaphore_mem>>)
      %dma_wait3A = arith.constant 0 : i32
      %dma_wait3A_70 = arith.constant 0 : i32
      %dma_wait3A_71 = arith.constant 0 : i32
      %dma_wait3A_72 = arith.constant 0 : i32
      %dma_wait3A_73 = tpu.memref_slice %arg6[%dma_wait3A_70, %dma_wait3A_71, %dma_wait3A_72] : memref<4x128x32xf32, #tpu.memory_space<vmem>> -> memref<1x128x32xf32, #tpu.memory_space<vmem>>
      %dma_wait3A_74 = tpu.memref_squeeze %dma_wait3A_73 : memref<1x128x32xf32, #tpu.memory_space<vmem>> -> memref<128x32xf32, #tpu.memory_space<vmem>>
      %dma_wait3A_75 = arith.constant 0 : i32
      %dma_wait3A_76 = tpu.memref_slice %arg5[%dma_wait3A, %dma_wait3A_75] : memref<4x128xi32, #tpu.memory_space<vmem>> -> memref<1x128xi32, #tpu.memory_space<vmem>>
      %dma_wait3A_77 = tpu.memref_squeeze %dma_wait3A_76 : memref<1x128xi32, #tpu.memory_space<vmem>> -> memref<128xi32, #tpu.memory_space<vmem>>
      %dma_wait3A_78 = arith.constant 0 : i32
      %dma_wait3A_79 = arith.constant 0 : i32
      %dma_wait3A_80 = tpu.memref_slice %arg2[%dma_wait3A_78, %dma_wait3A_79] : memref<1000001x32xf32, #tpu.memory_space<hbm>> -> memref<1000001x32xf32, #tpu.memory_space<hbm>>
      tpu.wait_indirect_dma semaphore(%arg7 : memref<!tpu.dma_semaphore, #tpu.memory_space<semaphore_mem>>) src(%dma_wait3A_80 : memref<1000001x32xf32, #tpu.memory_space<hbm>>) dst(%dma_wait3A_74 : memref<128x32xf32, #tpu.memory_space<vmem>>)
      %add3A_81 = arith.constant 0 : i32
      %add3A_82 = arith.addi %add3A_11, %add3A_81 : i32
      %dma_start3A_83 = arith.constant 0 : i32
      %dma_start3A_84 = arith.constant 0 : i32
      %dma_start3A_85 = arith.constant 0 : i32
      %dma_start3A_86 = tpu.memref_slice %arg6[%dma_start3A_83, %dma_start3A_84, %dma_start3A_85] : memref<4x128x32xf32, #tpu.memory_space<vmem>> -> memref<1x128x32xf32, #tpu.memory_space<vmem>>
      %dma_start3A_87 = tpu.memref_squeeze %dma_start3A_86 : memref<1x128x32xf32, #tpu.memory_space<vmem>> -> memref<128x32xf32, #tpu.memory_space<vmem>>
      %dma_start3A_88 = arith.constant 0 : i32
      %dma_start3A_89 = tpu.memref_slice %arg4[%add3A_82, %dma_start3A_88] : memref<819200x32xf32, #tpu.memory_space<hbm>> -> memref<128x32xf32, #tpu.memory_space<hbm>>
      %dma_start3A_90 = arith.constant 0 : i32
      %dma_start3A_91 = tpu.memref_slice %arg4[%add3A_82, %dma_start3A_90] : memref<819200x32xf32, #tpu.memory_space<hbm>> -> memref<128x32xf32, #tpu.memory_space<hbm>>
      %dma_start3A_92 = arith.constant 0 : i32
      %dma_start3A_93 = arith.constant 0 : i32
      %dma_start3A_94 = tpu.memref_slice %arg6[%dma_start3A_83, %dma_start3A_92, %dma_start3A_93] : memref<4x128x32xf32, #tpu.memory_space<vmem>> -> memref<1x128x32xf32, #tpu.memory_space<vmem>>
      %dma_start3A_95 = tpu.memref_squeeze %dma_start3A_94 : memref<1x128x32xf32, #tpu.memory_space<vmem>> -> memref<128x32xf32, #tpu.memory_space<vmem>>
      tpu.enqueue_dma source(%dma_start3A_95 : memref<128x32xf32, #tpu.memory_space<vmem>>) target(%dma_start3A_91 : memref<128x32xf32, #tpu.memory_space<hbm>>) target_semaphore(%arg8 : memref<!tpu.dma_semaphore, #tpu.memory_space<semaphore_mem>>)
      %dma_wait3A_96 = arith.constant 1 : i32
      %dma_wait3A_97 = arith.constant 1 : i32
      %dma_wait3A_98 = arith.constant 0 : i32
      %dma_wait3A_99 = arith.constant 0 : i32
      %dma_wait3A_100 = tpu.memref_slice %arg6[%dma_wait3A_97, %dma_wait3A_98, %dma_wait3A_99] : memref<4x128x32xf32, #tpu.memory_space<vmem>> -> memref<1x128x32xf32, #tpu.memory_space<vmem>>
      %dma_wait3A_101 = tpu.memref_squeeze %dma_wait3A_100 : memref<1x128x32xf32, #tpu.memory_space<vmem>> -> memref<128x32xf32, #tpu.memory_space<vmem>>
      %dma_wait3A_102 = arith.constant 0 : i32
      %dma_wait3A_103 = tpu.memref_slice %arg5[%dma_wait3A_96, %dma_wait3A_102] : memref<4x128xi32, #tpu.memory_space<vmem>> -> memref<1x128xi32, #tpu.memory_space<vmem>>
      %dma_wait3A_104 = tpu.memref_squeeze %dma_wait3A_103 : memref<1x128xi32, #tpu.memory_space<vmem>> -> memref<128xi32, #tpu.memory_space<vmem>>
      %dma_wait3A_105 = arith.constant 0 : i32
      %dma_wait3A_106 = arith.constant 0 : i32
      %dma_wait3A_107 = tpu.memref_slice %arg2[%dma_wait3A_105, %dma_wait3A_106] : memref<1000001x32xf32, #tpu.memory_space<hbm>> -> memref<1000001x32xf32, #tpu.memory_space<hbm>>
      tpu.wait_indirect_dma semaphore(%arg7 : memref<!tpu.dma_semaphore, #tpu.memory_space<semaphore_mem>>) src(%dma_wait3A_107 : memref<1000001x32xf32, #tpu.memory_space<hbm>>) dst(%dma_wait3A_101 : memref<128x32xf32, #tpu.memory_space<vmem>>)
      %add3A_108 = arith.constant 128 : i32
      %add3A_109 = arith.addi %add3A_11, %add3A_108 : i32
      %dma_start3A_110 = arith.constant 1 : i32
      %dma_start3A_111 = arith.constant 0 : i32
      %dma_start3A_112 = arith.constant 0 : i32
      %dma_start3A_113 = tpu.memref_slice %arg6[%dma_start3A_110, %dma_start3A_111, %dma_start3A_112] : memref<4x128x32xf32, #tpu.memory_space<vmem>> -> memref<1x128x32xf32, #tpu.memory_space<vmem>>
      %dma_start3A_114 = tpu.memref_squeeze %dma_start3A_113 : memref<1x128x32xf32, #tpu.memory_space<vmem>> -> memref<128x32xf32, #tpu.memory_space<vmem>>
      %dma_start3A_115 = arith.constant 0 : i32
      %dma_start3A_116 = tpu.memref_slice %arg4[%add3A_109, %dma_start3A_115] : memref<819200x32xf32, #tpu.memory_space<hbm>> -> memref<128x32xf32, #tpu.memory_space<hbm>>
      %dma_start3A_117 = arith.constant 0 : i32
      %dma_start3A_118 = tpu.memref_slice %arg4[%add3A_109, %dma_start3A_117] : memref<819200x32xf32, #tpu.memory_space<hbm>> -> memref<128x32xf32, #tpu.memory_space<hbm>>
      %dma_start3A_119 = arith.constant 0 : i32
      %dma_start3A_120 = arith.constant 0 : i32
      %dma_start3A_121 = tpu.memref_slice %arg6[%dma_start3A_110, %dma_start3A_119, %dma_start3A_120] : memref<4x128x32xf32, #tpu.memory_space<vmem>> -> memref<1x128x32xf32, #tpu.memory_space<vmem>>
      %dma_start3A_122 = tpu.memref_squeeze %dma_start3A_121 : memref<1x128x32xf32, #tpu.memory_space<vmem>> -> memref<128x32xf32, #tpu.memory_space<vmem>>
      tpu.enqueue_dma source(%dma_start3A_122 : memref<128x32xf32, #tpu.memory_space<vmem>>) target(%dma_start3A_118 : memref<128x32xf32, #tpu.memory_space<hbm>>) target_semaphore(%arg8 : memref<!tpu.dma_semaphore, #tpu.memory_space<semaphore_mem>>)
      %dma_wait3A_123 = arith.constant 2 : i32
      %dma_wait3A_124 = arith.constant 2 : i32
      %dma_wait3A_125 = arith.constant 0 : i32
      %dma_wait3A_126 = arith.constant 0 : i32
      %dma_wait3A_127 = tpu.memref_slice %arg6[%dma_wait3A_124, %dma_wait3A_125, %dma_wait3A_126] : memref<4x128x32xf32, #tpu.memory_space<vmem>> -> memref<1x128x32xf32, #tpu.memory_space<vmem>>
      %dma_wait3A_128 = tpu.memref_squeeze %dma_wait3A_127 : memref<1x128x32xf32, #tpu.memory_space<vmem>> -> memref<128x32xf32, #tpu.memory_space<vmem>>
      %dma_wait3A_129 = arith.constant 0 : i32
      %dma_wait3A_130 = tpu.memref_slice %arg5[%dma_wait3A_123, %dma_wait3A_129] : memref<4x128xi32, #tpu.memory_space<vmem>> -> memref<1x128xi32, #tpu.memory_space<vmem>>
      %dma_wait3A_131 = tpu.memref_squeeze %dma_wait3A_130 : memref<1x128xi32, #tpu.memory_space<vmem>> -> memref<128xi32, #tpu.memory_space<vmem>>
      %dma_wait3A_132 = arith.constant 0 : i32
      %dma_wait3A_133 = arith.constant 0 : i32
      %dma_wait3A_134 = tpu.memref_slice %arg2[%dma_wait3A_132, %dma_wait3A_133] : memref<1000001x32xf32, #tpu.memory_space<hbm>> -> memref<1000001x32xf32, #tpu.memory_space<hbm>>
      tpu.wait_indirect_dma semaphore(%arg7 : memref<!tpu.dma_semaphore, #tpu.memory_space<semaphore_mem>>) src(%dma_wait3A_134 : memref<1000001x32xf32, #tpu.memory_space<hbm>>) dst(%dma_wait3A_128 : memref<128x32xf32, #tpu.memory_space<vmem>>)
      %add3A_135 = arith.constant 256 : i32
      %add3A_136 = arith.addi %add3A_11, %add3A_135 : i32
      %dma_start3A_137 = arith.constant 2 : i32
      %dma_start3A_138 = arith.constant 0 : i32
      %dma_start3A_139 = arith.constant 0 : i32
      %dma_start3A_140 = tpu.memref_slice %arg6[%dma_start3A_137, %dma_start3A_138, %dma_start3A_139] : memref<4x128x32xf32, #tpu.memory_space<vmem>> -> memref<1x128x32xf32, #tpu.memory_space<vmem>>
      %dma_start3A_141 = tpu.memref_squeeze %dma_start3A_140 : memref<1x128x32xf32, #tpu.memory_space<vmem>> -> memref<128x32xf32, #tpu.memory_space<vmem>>
      %dma_start3A_142 = arith.constant 0 : i32
      %dma_start3A_143 = tpu.memref_slice %arg4[%add3A_136, %dma_start3A_142] : memref<819200x32xf32, #tpu.memory_space<hbm>> -> memref<128x32xf32, #tpu.memory_space<hbm>>
      %dma_start3A_144 = arith.constant 0 : i32
      %dma_start3A_145 = tpu.memref_slice %arg4[%add3A_136, %dma_start3A_144] : memref<819200x32xf32, #tpu.memory_space<hbm>> -> memref<128x32xf32, #tpu.memory_space<hbm>>
      %dma_start3A_146 = arith.constant 0 : i32
      %dma_start3A_147 = arith.constant 0 : i32
      %dma_start3A_148 = tpu.memref_slice %arg6[%dma_start3A_137, %dma_start3A_146, %dma_start3A_147] : memref<4x128x32xf32, #tpu.memory_space<vmem>> -> memref<1x128x32xf32, #tpu.memory_space<vmem>>
      %dma_start3A_149 = tpu.memref_squeeze %dma_start3A_148 : memref<1x128x32xf32, #tpu.memory_space<vmem>> -> memref<128x32xf32, #tpu.memory_space<vmem>>
      tpu.enqueue_dma source(%dma_start3A_149 : memref<128x32xf32, #tpu.memory_space<vmem>>) target(%dma_start3A_145 : memref<128x32xf32, #tpu.memory_space<hbm>>) target_semaphore(%arg8 : memref<!tpu.dma_semaphore, #tpu.memory_space<semaphore_mem>>)
      %dma_wait3A_150 = arith.constant 3 : i32
      %dma_wait3A_151 = arith.constant 3 : i32
      %dma_wait3A_152 = arith.constant 0 : i32
      %dma_wait3A_153 = arith.constant 0 : i32
      %dma_wait3A_154 = tpu.memref_slice %arg6[%dma_wait3A_151, %dma_wait3A_152, %dma_wait3A_153] : memref<4x128x32xf32, #tpu.memory_space<vmem>> -> memref<1x128x32xf32, #tpu.memory_space<vmem>>
      %dma_wait3A_155 = tpu.memref_squeeze %dma_wait3A_154 : memref<1x128x32xf32, #tpu.memory_space<vmem>> -> memref<128x32xf32, #tpu.memory_space<vmem>>
      %dma_wait3A_156 = arith.constant 0 : i32
      %dma_wait3A_157 = tpu.memref_slice %arg5[%dma_wait3A_150, %dma_wait3A_156] : memref<4x128xi32, #tpu.memory_space<vmem>> -> memref<1x128xi32, #tpu.memory_space<vmem>>
      %dma_wait3A_158 = tpu.memref_squeeze %dma_wait3A_157 : memref<1x128xi32, #tpu.memory_space<vmem>> -> memref<128xi32, #tpu.memory_space<vmem>>
      %dma_wait3A_159 = arith.constant 0 : i32
      %dma_wait3A_160 = arith.constant 0 : i32
      %dma_wait3A_161 = tpu.memref_slice %arg2[%dma_wait3A_159, %dma_wait3A_160] : memref<1000001x32xf32, #tpu.memory_space<hbm>> -> memref<1000001x32xf32, #tpu.memory_space<hbm>>
      tpu.wait_indirect_dma semaphore(%arg7 : memref<!tpu.dma_semaphore, #tpu.memory_space<semaphore_mem>>) src(%dma_wait3A_161 : memref<1000001x32xf32, #tpu.memory_space<hbm>>) dst(%dma_wait3A_155 : memref<128x32xf32, #tpu.memory_space<vmem>>)
      %add3A_162 = arith.constant 384 : i32
      %add3A_163 = arith.addi %add3A_11, %add3A_162 : i32
      %dma_start3A_164 = arith.constant 3 : i32
      %dma_start3A_165 = arith.constant 0 : i32
      %dma_start3A_166 = arith.constant 0 : i32
      %dma_start3A_167 = tpu.memref_slice %arg6[%dma_start3A_164, %dma_start3A_165, %dma_start3A_166] : memref<4x128x32xf32, #tpu.memory_space<vmem>> -> memref<1x128x32xf32, #tpu.memory_space<vmem>>
      %dma_start3A_168 = tpu.memref_squeeze %dma_start3A_167 : memref<1x128x32xf32, #tpu.memory_space<vmem>> -> memref<128x32xf32, #tpu.memory_space<vmem>>
      %dma_start3A_169 = arith.constant 0 : i32
      %dma_start3A_170 = tpu.memref_slice %arg4[%add3A_163, %dma_start3A_169] : memref<819200x32xf32, #tpu.memory_space<hbm>> -> memref<128x32xf32, #tpu.memory_space<hbm>>
      %dma_start3A_171 = arith.constant 0 : i32
      %dma_start3A_172 = tpu.memref_slice %arg4[%add3A_163, %dma_start3A_171] : memref<819200x32xf32, #tpu.memory_space<hbm>> -> memref<128x32xf32, #tpu.memory_space<hbm>>
      %dma_start3A_173 = arith.constant 0 : i32
      %dma_start3A_174 = arith.constant 0 : i32
      %dma_start3A_175 = tpu.memref_slice %arg6[%dma_start3A_164, %dma_start3A_173, %dma_start3A_174] : memref<4x128x32xf32, #tpu.memory_space<vmem>> -> memref<1x128x32xf32, #tpu.memory_space<vmem>>
      %dma_start3A_176 = tpu.memref_squeeze %dma_start3A_175 : memref<1x128x32xf32, #tpu.memory_space<vmem>> -> memref<128x32xf32, #tpu.memory_space<vmem>>
      tpu.enqueue_dma source(%dma_start3A_176 : memref<128x32xf32, #tpu.memory_space<vmem>>) target(%dma_start3A_172 : memref<128x32xf32, #tpu.memory_space<hbm>>) target_semaphore(%arg8 : memref<!tpu.dma_semaphore, #tpu.memory_space<semaphore_mem>>)
      %dma_wait3A_177 = arith.constant 0 : i32
      %dma_wait3A_178 = arith.constant 0 : i32
      %dma_wait3A_179 = arith.constant 0 : i32
      %dma_wait3A_180 = tpu.memref_slice %arg6[%dma_wait3A_177, %dma_wait3A_178, %dma_wait3A_179] : memref<4x128x32xf32, #tpu.memory_space<vmem>> -> memref<1x128x32xf32, #tpu.memory_space<vmem>>
      %dma_wait3A_181 = tpu.memref_squeeze %dma_wait3A_180 : memref<1x128x32xf32, #tpu.memory_space<vmem>> -> memref<128x32xf32, #tpu.memory_space<vmem>>
      %dma_wait3A_182 = arith.constant 0 : i32
      %dma_wait3A_183 = tpu.memref_slice %arg4[%add3A_82, %dma_wait3A_182] : memref<819200x32xf32, #tpu.memory_space<hbm>> -> memref<128x32xf32, #tpu.memory_space<hbm>>
      %dma_wait3A_184 = arith.constant 0 : i32
      %dma_wait3A_185 = tpu.memref_slice %arg4[%add3A_82, %dma_wait3A_184] : memref<819200x32xf32, #tpu.memory_space<hbm>> -> memref<128x32xf32, #tpu.memory_space<hbm>>
      %dma_wait3A_186 = arith.constant 0 : i32
      %dma_wait3A_187 = arith.constant 0 : i32
      %dma_wait3A_188 = tpu.memref_slice %arg6[%dma_wait3A_177, %dma_wait3A_186, %dma_wait3A_187] : memref<4x128x32xf32, #tpu.memory_space<vmem>> -> memref<1x128x32xf32, #tpu.memory_space<vmem>>
      %dma_wait3A_189 = tpu.memref_squeeze %dma_wait3A_188 : memref<1x128x32xf32, #tpu.memory_space<vmem>> -> memref<128x32xf32, #tpu.memory_space<vmem>>
      tpu.wait_dma2 semaphore(%arg8 : memref<!tpu.dma_semaphore, #tpu.memory_space<semaphore_mem>>) src(%dma_wait3A_189 : memref<128x32xf32, #tpu.memory_space<vmem>>) dst(%dma_wait3A_185 : memref<128x32xf32, #tpu.memory_space<hbm>>)
      %dma_wait3A_190 = arith.constant 1 : i32
      %dma_wait3A_191 = arith.constant 0 : i32
      %dma_wait3A_192 = arith.constant 0 : i32
      %dma_wait3A_193 = tpu.memref_slice %arg6[%dma_wait3A_190, %dma_wait3A_191, %dma_wait3A_192] : memref<4x128x32xf32, #tpu.memory_space<vmem>> -> memref<1x128x32xf32, #tpu.memory_space<vmem>>
      %dma_wait3A_194 = tpu.memref_squeeze %dma_wait3A_193 : memref<1x128x32xf32, #tpu.memory_space<vmem>> -> memref<128x32xf32, #tpu.memory_space<vmem>>
      %dma_wait3A_195 = arith.constant 0 : i32
      %dma_wait3A_196 = tpu.memref_slice %arg4[%add3A_109, %dma_wait3A_195] : memref<819200x32xf32, #tpu.memory_space<hbm>> -> memref<128x32xf32, #tpu.memory_space<hbm>>
      %dma_wait3A_197 = arith.constant 0 : i32
      %dma_wait3A_198 = tpu.memref_slice %arg4[%add3A_109, %dma_wait3A_197] : memref<819200x32xf32, #tpu.memory_space<hbm>> -> memref<128x32xf32, #tpu.memory_space<hbm>>
      %dma_wait3A_199 = arith.constant 0 : i32
      %dma_wait3A_200 = arith.constant 0 : i32
      %dma_wait3A_201 = tpu.memref_slice %arg6[%dma_wait3A_190, %dma_wait3A_199, %dma_wait3A_200] : memref<4x128x32xf32, #tpu.memory_space<vmem>> -> memref<1x128x32xf32, #tpu.memory_space<vmem>>
      %dma_wait3A_202 = tpu.memref_squeeze %dma_wait3A_201 : memref<1x128x32xf32, #tpu.memory_space<vmem>> -> memref<128x32xf32, #tpu.memory_space<vmem>>
      tpu.wait_dma2 semaphore(%arg8 : memref<!tpu.dma_semaphore, #tpu.memory_space<semaphore_mem>>) src(%dma_wait3A_202 : memref<128x32xf32, #tpu.memory_space<vmem>>) dst(%dma_wait3A_198 : memref<128x32xf32, #tpu.memory_space<hbm>>)
      %dma_wait3A_203 = arith.constant 2 : i32
      %dma_wait3A_204 = arith.constant 0 : i32
      %dma_wait3A_205 = arith.constant 0 : i32
      %dma_wait3A_206 = tpu.memref_slice %arg6[%dma_wait3A_203, %dma_wait3A_204, %dma_wait3A_205] : memref<4x128x32xf32, #tpu.memory_space<vmem>> -> memref<1x128x32xf32, #tpu.memory_space<vmem>>
      %dma_wait3A_207 = tpu.memref_squeeze %dma_wait3A_206 : memref<1x128x32xf32, #tpu.memory_space<vmem>> -> memref<128x32xf32, #tpu.memory_space<vmem>>
      %dma_wait3A_208 = arith.constant 0 : i32
      %dma_wait3A_209 = tpu.memref_slice %arg4[%add3A_136, %dma_wait3A_208] : memref<819200x32xf32, #tpu.memory_space<hbm>> -> memref<128x32xf32, #tpu.memory_space<hbm>>
      %dma_wait3A_210 = arith.constant 0 : i32
      %dma_wait3A_211 = tpu.memref_slice %arg4[%add3A_136, %dma_wait3A_210] : memref<819200x32xf32, #tpu.memory_space<hbm>> -> memref<128x32xf32, #tpu.memory_space<hbm>>
      %dma_wait3A_212 = arith.constant 0 : i32
      %dma_wait3A_213 = arith.constant 0 : i32
      %dma_wait3A_214 = tpu.memref_slice %arg6[%dma_wait3A_203, %dma_wait3A_212, %dma_wait3A_213] : memref<4x128x32xf32, #tpu.memory_space<vmem>> -> memref<1x128x32xf32, #tpu.memory_space<vmem>>
      %dma_wait3A_215 = tpu.memref_squeeze %dma_wait3A_214 : memref<1x128x32xf32, #tpu.memory_space<vmem>> -> memref<128x32xf32, #tpu.memory_space<vmem>>
      tpu.wait_dma2 semaphore(%arg8 : memref<!tpu.dma_semaphore, #tpu.memory_space<semaphore_mem>>) src(%dma_wait3A_215 : memref<128x32xf32, #tpu.memory_space<vmem>>) dst(%dma_wait3A_211 : memref<128x32xf32, #tpu.memory_space<hbm>>)
      %dma_wait3A_216 = arith.constant 3 : i32
      %dma_wait3A_217 = arith.constant 0 : i32
      %dma_wait3A_218 = arith.constant 0 : i32
      %dma_wait3A_219 = tpu.memref_slice %arg6[%dma_wait3A_216, %dma_wait3A_217, %dma_wait3A_218] : memref<4x128x32xf32, #tpu.memory_space<vmem>> -> memref<1x128x32xf32, #tpu.memory_space<vmem>>
      %dma_wait3A_220 = tpu.memref_squeeze %dma_wait3A_219 : memref<1x128x32xf32, #tpu.memory_space<vmem>> -> memref<128x32xf32, #tpu.memory_space<vmem>>
      %dma_wait3A_221 = arith.constant 0 : i32
      %dma_wait3A_222 = tpu.memref_slice %arg4[%add3A_163, %dma_wait3A_221] : memref<819200x32xf32, #tpu.memory_space<hbm>> -> memref<128x32xf32, #tpu.memory_space<hbm>>
      %dma_wait3A_223 = arith.constant 0 : i32
      %dma_wait3A_224 = tpu.memref_slice %arg4[%add3A_163, %dma_wait3A_223] : memref<819200x32xf32, #tpu.memory_space<hbm>> -> memref<128x32xf32, #tpu.memory_space<hbm>>
      %dma_wait3A_225 = arith.constant 0 : i32
      %dma_wait3A_226 = arith.constant 0 : i32
      %dma_wait3A_227 = tpu.memref_slice %arg6[%dma_wait3A_216, %dma_wait3A_225, %dma_wait3A_226] : memref<4x128x32xf32, #tpu.memory_space<vmem>> -> memref<1x128x32xf32, #tpu.memory_space<vmem>>
      %dma_wait3A_228 = tpu.memref_squeeze %dma_wait3A_227 : memref<1x128x32xf32, #tpu.memory_space<vmem>> -> memref<128x32xf32, #tpu.memory_space<vmem>>
      tpu.wait_dma2 semaphore(%arg8 : memref<!tpu.dma_semaphore, #tpu.memory_space<semaphore_mem>>) src(%dma_wait3A_228 : memref<128x32xf32, #tpu.memory_space<vmem>>) dst(%dma_wait3A_224 : memref<128x32xf32, #tpu.memory_space<hbm>>)
    }
    %scan3A_7 = arith.constant 50 : i32
    return
  }
}

#map = affine_map<(d0, d1) -> (0, 0)>
#map1 = affine_map<(d0, d1) -> (0)>
module attributes {stable_mosaic.version = 14 : i64} {
  func.func @gather_k(%arg0: i32, %arg1: i32, %arg2: memref<1000001x32xf32, #tpu.memory_space<hbm>>, %arg3: memref<16384xi32, #tpu.memory_space<hbm>>, %arg4: memref<16384x32xf32, #tpu.memory_space<hbm>>, %arg5: memref<4x128xi32, #tpu.memory_space<vmem>>, %arg6: memref<4x128x32xf32, #tpu.memory_space<vmem>>, %arg7: memref<!tpu.dma_semaphore, #tpu.memory_space<semaphore_mem>>, %arg8: memref<!tpu.dma_semaphore, #tpu.memory_space<semaphore_mem>>) attributes {dimension_semantics = [#tpu.dimension_semantics<core_parallel>, #tpu.dimension_semantics<subcore_parallel>], iteration_bounds = array<i64: 2, 16>, scalar_prefetch = 0 : i64, scratch_operands = 4 : i64, tpu.core_type = #tpu.core_type<sc_vector_subcore>, window_params = [{transform_indices = #map}, {transform_indices = #map1}, {transform_indices = #map}]} {
    %mul3A = arith.constant 2 : i32
    %mul3A_0 = arith.muli %arg1, %mul3A : i32
    %add3A = arith.addi %mul3A_0, %arg0 : i32
    %mul3A_1 = arith.constant 512 : i32
    %mul3A_2 = arith.muli %add3A, %mul3A_1 : i32
    %scan3A = arith.constant 0 : i32
    %scan3A_3 = arith.constant 0 : i32
    %mul3A_4 = arith.constant 512 : i32
    %mul3A_5 = arith.muli %scan3A_3, %mul3A_4 : i32
    %add3A_6 = arith.addi %mul3A_2, %mul3A_5 : i32
    %add3A_7 = arith.constant 0 : i32
    %add3A_8 = arith.addi %add3A_6, %add3A_7 : i32
    %run_scoped3A = arith.constant 0 : i32
    "tpu.region"() ({
      %run_scoped3A_225 = tpu.sem_alloc : memref<!tpu.dma_semaphore, #tpu.memory_space<semaphore_mem>>
      %dma_start3A_226 = arith.constant 0 : i32
      %dma_start3A_227 = tpu.memref_slice %arg5[%run_scoped3A, %dma_start3A_226] : memref<4x128xi32, #tpu.memory_space<vmem>> -> memref<1x128xi32, #tpu.memory_space<vmem>>
      %dma_start3A_228 = tpu.memref_squeeze %dma_start3A_227 : memref<1x128xi32, #tpu.memory_space<vmem>> -> memref<128xi32, #tpu.memory_space<vmem>>
      %dma_start3A_229 = tpu.memref_slice %arg3[%add3A_8] : memref<16384xi32, #tpu.memory_space<hbm>> -> memref<128xi32, #tpu.memory_space<hbm>>
      %dma_start3A_230 = arith.constant 0 : i32
      %dma_start3A_231 = tpu.memref_slice %arg5[%run_scoped3A, %dma_start3A_230] : memref<4x128xi32, #tpu.memory_space<vmem>> -> memref<1x128xi32, #tpu.memory_space<vmem>>
      %dma_start3A_232 = tpu.memref_squeeze %dma_start3A_231 : memref<1x128xi32, #tpu.memory_space<vmem>> -> memref<128xi32, #tpu.memory_space<vmem>>
      %dma_start3A_233 = tpu.memref_slice %arg3[%add3A_8] : memref<16384xi32, #tpu.memory_space<hbm>> -> memref<128xi32, #tpu.memory_space<hbm>>
      tpu.enqueue_dma source(%dma_start3A_233 : memref<128xi32, #tpu.memory_space<hbm>>) target(%dma_start3A_232 : memref<128xi32, #tpu.memory_space<vmem>>) target_semaphore(%run_scoped3A_225 : memref<!tpu.dma_semaphore, #tpu.memory_space<semaphore_mem>>)
      %dma_wait3A_234 = arith.constant 0 : i32
      %dma_wait3A_235 = tpu.memref_slice %arg5[%run_scoped3A, %dma_wait3A_234] : memref<4x128xi32, #tpu.memory_space<vmem>> -> memref<1x128xi32, #tpu.memory_space<vmem>>
      %dma_wait3A_236 = tpu.memref_squeeze %dma_wait3A_235 : memref<1x128xi32, #tpu.memory_space<vmem>> -> memref<128xi32, #tpu.memory_space<vmem>>
      %dma_wait3A_237 = tpu.memref_slice %arg3[%add3A_8] : memref<16384xi32, #tpu.memory_space<hbm>> -> memref<128xi32, #tpu.memory_space<hbm>>
      %dma_wait3A_238 = arith.constant 0 : i32
      %dma_wait3A_239 = tpu.memref_slice %arg5[%run_scoped3A, %dma_wait3A_238] : memref<4x128xi32, #tpu.memory_space<vmem>> -> memref<1x128xi32, #tpu.memory_space<vmem>>
      %dma_wait3A_240 = tpu.memref_squeeze %dma_wait3A_239 : memref<1x128xi32, #tpu.memory_space<vmem>> -> memref<128xi32, #tpu.memory_space<vmem>>
      %dma_wait3A_241 = tpu.memref_slice %arg3[%add3A_8] : memref<16384xi32, #tpu.memory_space<hbm>> -> memref<128xi32, #tpu.memory_space<hbm>>
      tpu.wait_dma2 semaphore(%run_scoped3A_225 : memref<!tpu.dma_semaphore, #tpu.memory_space<semaphore_mem>>) src(%dma_wait3A_241 : memref<128xi32, #tpu.memory_space<hbm>>) dst(%dma_wait3A_240 : memref<128xi32, #tpu.memory_space<vmem>>)
      tpu.yield
    }) : () -> ()
    %dma_start3A = arith.constant 0 : i32
    %dma_start3A_9 = arith.constant 0 : i32
    %dma_start3A_10 = arith.constant 0 : i32
    %dma_start3A_11 = arith.constant 0 : i32
    %dma_start3A_12 = tpu.memref_slice %arg6[%dma_start3A_9, %dma_start3A_10, %dma_start3A_11] : memref<4x128x32xf32, #tpu.memory_space<vmem>> -> memref<1x128x32xf32, #tpu.memory_space<vmem>>
    %dma_start3A_13 = tpu.memref_squeeze %dma_start3A_12 : memref<1x128x32xf32, #tpu.memory_space<vmem>> -> memref<128x32xf32, #tpu.memory_space<vmem>>
    %dma_start3A_14 = arith.constant 0 : i32
    %dma_start3A_15 = tpu.memref_slice %arg5[%dma_start3A, %dma_start3A_14] : memref<4x128xi32, #tpu.memory_space<vmem>> -> memref<1x128xi32, #tpu.memory_space<vmem>>
    %dma_start3A_16 = tpu.memref_squeeze %dma_start3A_15 : memref<1x128xi32, #tpu.memory_space<vmem>> -> memref<128xi32, #tpu.memory_space<vmem>>
    %dma_start3A_17 = arith.constant 0 : i32
    %dma_start3A_18 = arith.constant 0 : i32
    %dma_start3A_19 = tpu.memref_slice %arg2[%dma_start3A_17, %dma_start3A_18] : memref<1000001x32xf32, #tpu.memory_space<hbm>> -> memref<1000001x32xf32, #tpu.memory_space<hbm>>
    tpu.enqueue_indirect_dma source(%dma_start3A_19 : memref<1000001x32xf32, #tpu.memory_space<hbm>>) target(%dma_start3A_13 : memref<128x32xf32, #tpu.memory_space<vmem>>) offsets(%dma_start3A_16 : memref<128xi32, #tpu.memory_space<vmem>>) semaphore(%arg7 : memref<!tpu.dma_semaphore, #tpu.memory_space<semaphore_mem>>)
    %add3A_20 = arith.constant 128 : i32
    %add3A_21 = arith.addi %add3A_6, %add3A_20 : i32
    %run_scoped3A_22 = arith.constant 1 : i32
    "tpu.region"() ({
      %run_scoped3A_225 = tpu.sem_alloc : memref<!tpu.dma_semaphore, #tpu.memory_space<semaphore_mem>>
      %dma_start3A_226 = arith.constant 0 : i32
      %dma_start3A_227 = tpu.memref_slice %arg5[%run_scoped3A_22, %dma_start3A_226] : memref<4x128xi32, #tpu.memory_space<vmem>> -> memref<1x128xi32, #tpu.memory_space<vmem>>
      %dma_start3A_228 = tpu.memref_squeeze %dma_start3A_227 : memref<1x128xi32, #tpu.memory_space<vmem>> -> memref<128xi32, #tpu.memory_space<vmem>>
      %dma_start3A_229 = tpu.memref_slice %arg3[%add3A_21] : memref<16384xi32, #tpu.memory_space<hbm>> -> memref<128xi32, #tpu.memory_space<hbm>>
      %dma_start3A_230 = arith.constant 0 : i32
      %dma_start3A_231 = tpu.memref_slice %arg5[%run_scoped3A_22, %dma_start3A_230] : memref<4x128xi32, #tpu.memory_space<vmem>> -> memref<1x128xi32, #tpu.memory_space<vmem>>
      %dma_start3A_232 = tpu.memref_squeeze %dma_start3A_231 : memref<1x128xi32, #tpu.memory_space<vmem>> -> memref<128xi32, #tpu.memory_space<vmem>>
      %dma_start3A_233 = tpu.memref_slice %arg3[%add3A_21] : memref<16384xi32, #tpu.memory_space<hbm>> -> memref<128xi32, #tpu.memory_space<hbm>>
      tpu.enqueue_dma source(%dma_start3A_233 : memref<128xi32, #tpu.memory_space<hbm>>) target(%dma_start3A_232 : memref<128xi32, #tpu.memory_space<vmem>>) target_semaphore(%run_scoped3A_225 : memref<!tpu.dma_semaphore, #tpu.memory_space<semaphore_mem>>)
      %dma_wait3A_234 = arith.constant 0 : i32
      %dma_wait3A_235 = tpu.memref_slice %arg5[%run_scoped3A_22, %dma_wait3A_234] : memref<4x128xi32, #tpu.memory_space<vmem>> -> memref<1x128xi32, #tpu.memory_space<vmem>>
      %dma_wait3A_236 = tpu.memref_squeeze %dma_wait3A_235 : memref<1x128xi32, #tpu.memory_space<vmem>> -> memref<128xi32, #tpu.memory_space<vmem>>
      %dma_wait3A_237 = tpu.memref_slice %arg3[%add3A_21] : memref<16384xi32, #tpu.memory_space<hbm>> -> memref<128xi32, #tpu.memory_space<hbm>>
      %dma_wait3A_238 = arith.constant 0 : i32
      %dma_wait3A_239 = tpu.memref_slice %arg5[%run_scoped3A_22, %dma_wait3A_238] : memref<4x128xi32, #tpu.memory_space<vmem>> -> memref<1x128xi32, #tpu.memory_space<vmem>>
      %dma_wait3A_240 = tpu.memref_squeeze %dma_wait3A_239 : memref<1x128xi32, #tpu.memory_space<vmem>> -> memref<128xi32, #tpu.memory_space<vmem>>
      %dma_wait3A_241 = tpu.memref_slice %arg3[%add3A_21] : memref<16384xi32, #tpu.memory_space<hbm>> -> memref<128xi32, #tpu.memory_space<hbm>>
      tpu.wait_dma2 semaphore(%run_scoped3A_225 : memref<!tpu.dma_semaphore, #tpu.memory_space<semaphore_mem>>) src(%dma_wait3A_241 : memref<128xi32, #tpu.memory_space<hbm>>) dst(%dma_wait3A_240 : memref<128xi32, #tpu.memory_space<vmem>>)
      tpu.yield
    }) : () -> ()
    %dma_start3A_23 = arith.constant 1 : i32
    %dma_start3A_24 = arith.constant 1 : i32
    %dma_start3A_25 = arith.constant 0 : i32
    %dma_start3A_26 = arith.constant 0 : i32
    %dma_start3A_27 = tpu.memref_slice %arg6[%dma_start3A_24, %dma_start3A_25, %dma_start3A_26] : memref<4x128x32xf32, #tpu.memory_space<vmem>> -> memref<1x128x32xf32, #tpu.memory_space<vmem>>
    %dma_start3A_28 = tpu.memref_squeeze %dma_start3A_27 : memref<1x128x32xf32, #tpu.memory_space<vmem>> -> memref<128x32xf32, #tpu.memory_space<vmem>>
    %dma_start3A_29 = arith.constant 0 : i32
    %dma_start3A_30 = tpu.memref_slice %arg5[%dma_start3A_23, %dma_start3A_29] : memref<4x128xi32, #tpu.memory_space<vmem>> -> memref<1x128xi32, #tpu.memory_space<vmem>>
    %dma_start3A_31 = tpu.memref_squeeze %dma_start3A_30 : memref<1x128xi32, #tpu.memory_space<vmem>> -> memref<128xi32, #tpu.memory_space<vmem>>
    %dma_start3A_32 = arith.constant 0 : i32
    %dma_start3A_33 = arith.constant 0 : i32
    %dma_start3A_34 = tpu.memref_slice %arg2[%dma_start3A_32, %dma_start3A_33] : memref<1000001x32xf32, #tpu.memory_space<hbm>> -> memref<1000001x32xf32, #tpu.memory_space<hbm>>
    tpu.enqueue_indirect_dma source(%dma_start3A_34 : memref<1000001x32xf32, #tpu.memory_space<hbm>>) target(%dma_start3A_28 : memref<128x32xf32, #tpu.memory_space<vmem>>) offsets(%dma_start3A_31 : memref<128xi32, #tpu.memory_space<vmem>>) semaphore(%arg7 : memref<!tpu.dma_semaphore, #tpu.memory_space<semaphore_mem>>)
    %add3A_35 = arith.constant 256 : i32
    %add3A_36 = arith.addi %add3A_6, %add3A_35 : i32
    %run_scoped3A_37 = arith.constant 2 : i32
    "tpu.region"() ({
      %run_scoped3A_225 = tpu.sem_alloc : memref<!tpu.dma_semaphore, #tpu.memory_space<semaphore_mem>>
      %dma_start3A_226 = arith.constant 0 : i32
      %dma_start3A_227 = tpu.memref_slice %arg5[%run_scoped3A_37, %dma_start3A_226] : memref<4x128xi32, #tpu.memory_space<vmem>> -> memref<1x128xi32, #tpu.memory_space<vmem>>
      %dma_start3A_228 = tpu.memref_squeeze %dma_start3A_227 : memref<1x128xi32, #tpu.memory_space<vmem>> -> memref<128xi32, #tpu.memory_space<vmem>>
      %dma_start3A_229 = tpu.memref_slice %arg3[%add3A_36] : memref<16384xi32, #tpu.memory_space<hbm>> -> memref<128xi32, #tpu.memory_space<hbm>>
      %dma_start3A_230 = arith.constant 0 : i32
      %dma_start3A_231 = tpu.memref_slice %arg5[%run_scoped3A_37, %dma_start3A_230] : memref<4x128xi32, #tpu.memory_space<vmem>> -> memref<1x128xi32, #tpu.memory_space<vmem>>
      %dma_start3A_232 = tpu.memref_squeeze %dma_start3A_231 : memref<1x128xi32, #tpu.memory_space<vmem>> -> memref<128xi32, #tpu.memory_space<vmem>>
      %dma_start3A_233 = tpu.memref_slice %arg3[%add3A_36] : memref<16384xi32, #tpu.memory_space<hbm>> -> memref<128xi32, #tpu.memory_space<hbm>>
      tpu.enqueue_dma source(%dma_start3A_233 : memref<128xi32, #tpu.memory_space<hbm>>) target(%dma_start3A_232 : memref<128xi32, #tpu.memory_space<vmem>>) target_semaphore(%run_scoped3A_225 : memref<!tpu.dma_semaphore, #tpu.memory_space<semaphore_mem>>)
      %dma_wait3A_234 = arith.constant 0 : i32
      %dma_wait3A_235 = tpu.memref_slice %arg5[%run_scoped3A_37, %dma_wait3A_234] : memref<4x128xi32, #tpu.memory_space<vmem>> -> memref<1x128xi32, #tpu.memory_space<vmem>>
      %dma_wait3A_236 = tpu.memref_squeeze %dma_wait3A_235 : memref<1x128xi32, #tpu.memory_space<vmem>> -> memref<128xi32, #tpu.memory_space<vmem>>
      %dma_wait3A_237 = tpu.memref_slice %arg3[%add3A_36] : memref<16384xi32, #tpu.memory_space<hbm>> -> memref<128xi32, #tpu.memory_space<hbm>>
      %dma_wait3A_238 = arith.constant 0 : i32
      %dma_wait3A_239 = tpu.memref_slice %arg5[%run_scoped3A_37, %dma_wait3A_238] : memref<4x128xi32, #tpu.memory_space<vmem>> -> memref<1x128xi32, #tpu.memory_space<vmem>>
      %dma_wait3A_240 = tpu.memref_squeeze %dma_wait3A_239 : memref<1x128xi32, #tpu.memory_space<vmem>> -> memref<128xi32, #tpu.memory_space<vmem>>
      %dma_wait3A_241 = tpu.memref_slice %arg3[%add3A_36] : memref<16384xi32, #tpu.memory_space<hbm>> -> memref<128xi32, #tpu.memory_space<hbm>>
      tpu.wait_dma2 semaphore(%run_scoped3A_225 : memref<!tpu.dma_semaphore, #tpu.memory_space<semaphore_mem>>) src(%dma_wait3A_241 : memref<128xi32, #tpu.memory_space<hbm>>) dst(%dma_wait3A_240 : memref<128xi32, #tpu.memory_space<vmem>>)
      tpu.yield
    }) : () -> ()
    %dma_start3A_38 = arith.constant 2 : i32
    %dma_start3A_39 = arith.constant 2 : i32
    %dma_start3A_40 = arith.constant 0 : i32
    %dma_start3A_41 = arith.constant 0 : i32
    %dma_start3A_42 = tpu.memref_slice %arg6[%dma_start3A_39, %dma_start3A_40, %dma_start3A_41] : memref<4x128x32xf32, #tpu.memory_space<vmem>> -> memref<1x128x32xf32, #tpu.memory_space<vmem>>
    %dma_start3A_43 = tpu.memref_squeeze %dma_start3A_42 : memref<1x128x32xf32, #tpu.memory_space<vmem>> -> memref<128x32xf32, #tpu.memory_space<vmem>>
    %dma_start3A_44 = arith.constant 0 : i32
    %dma_start3A_45 = tpu.memref_slice %arg5[%dma_start3A_38, %dma_start3A_44] : memref<4x128xi32, #tpu.memory_space<vmem>> -> memref<1x128xi32, #tpu.memory_space<vmem>>
    %dma_start3A_46 = tpu.memref_squeeze %dma_start3A_45 : memref<1x128xi32, #tpu.memory_space<vmem>> -> memref<128xi32, #tpu.memory_space<vmem>>
    %dma_start3A_47 = arith.constant 0 : i32
    %dma_start3A_48 = arith.constant 0 : i32
    %dma_start3A_49 = tpu.memref_slice %arg2[%dma_start3A_47, %dma_start3A_48] : memref<1000001x32xf32, #tpu.memory_space<hbm>> -> memref<1000001x32xf32, #tpu.memory_space<hbm>>
    tpu.enqueue_indirect_dma source(%dma_start3A_49 : memref<1000001x32xf32, #tpu.memory_space<hbm>>) target(%dma_start3A_43 : memref<128x32xf32, #tpu.memory_space<vmem>>) offsets(%dma_start3A_46 : memref<128xi32, #tpu.memory_space<vmem>>) semaphore(%arg7 : memref<!tpu.dma_semaphore, #tpu.memory_space<semaphore_mem>>)
    %add3A_50 = arith.constant 384 : i32
    %add3A_51 = arith.addi %add3A_6, %add3A_50 : i32
    %run_scoped3A_52 = arith.constant 3 : i32
    "tpu.region"() ({
      %run_scoped3A_225 = tpu.sem_alloc : memref<!tpu.dma_semaphore, #tpu.memory_space<semaphore_mem>>
      %dma_start3A_226 = arith.constant 0 : i32
      %dma_start3A_227 = tpu.memref_slice %arg5[%run_scoped3A_52, %dma_start3A_226] : memref<4x128xi32, #tpu.memory_space<vmem>> -> memref<1x128xi32, #tpu.memory_space<vmem>>
      %dma_start3A_228 = tpu.memref_squeeze %dma_start3A_227 : memref<1x128xi32, #tpu.memory_space<vmem>> -> memref<128xi32, #tpu.memory_space<vmem>>
      %dma_start3A_229 = tpu.memref_slice %arg3[%add3A_51] : memref<16384xi32, #tpu.memory_space<hbm>> -> memref<128xi32, #tpu.memory_space<hbm>>
      %dma_start3A_230 = arith.constant 0 : i32
      %dma_start3A_231 = tpu.memref_slice %arg5[%run_scoped3A_52, %dma_start3A_230] : memref<4x128xi32, #tpu.memory_space<vmem>> -> memref<1x128xi32, #tpu.memory_space<vmem>>
      %dma_start3A_232 = tpu.memref_squeeze %dma_start3A_231 : memref<1x128xi32, #tpu.memory_space<vmem>> -> memref<128xi32, #tpu.memory_space<vmem>>
      %dma_start3A_233 = tpu.memref_slice %arg3[%add3A_51] : memref<16384xi32, #tpu.memory_space<hbm>> -> memref<128xi32, #tpu.memory_space<hbm>>
      tpu.enqueue_dma source(%dma_start3A_233 : memref<128xi32, #tpu.memory_space<hbm>>) target(%dma_start3A_232 : memref<128xi32, #tpu.memory_space<vmem>>) target_semaphore(%run_scoped3A_225 : memref<!tpu.dma_semaphore, #tpu.memory_space<semaphore_mem>>)
      %dma_wait3A_234 = arith.constant 0 : i32
      %dma_wait3A_235 = tpu.memref_slice %arg5[%run_scoped3A_52, %dma_wait3A_234] : memref<4x128xi32, #tpu.memory_space<vmem>> -> memref<1x128xi32, #tpu.memory_space<vmem>>
      %dma_wait3A_236 = tpu.memref_squeeze %dma_wait3A_235 : memref<1x128xi32, #tpu.memory_space<vmem>> -> memref<128xi32, #tpu.memory_space<vmem>>
      %dma_wait3A_237 = tpu.memref_slice %arg3[%add3A_51] : memref<16384xi32, #tpu.memory_space<hbm>> -> memref<128xi32, #tpu.memory_space<hbm>>
      %dma_wait3A_238 = arith.constant 0 : i32
      %dma_wait3A_239 = tpu.memref_slice %arg5[%run_scoped3A_52, %dma_wait3A_238] : memref<4x128xi32, #tpu.memory_space<vmem>> -> memref<1x128xi32, #tpu.memory_space<vmem>>
      %dma_wait3A_240 = tpu.memref_squeeze %dma_wait3A_239 : memref<1x128xi32, #tpu.memory_space<vmem>> -> memref<128xi32, #tpu.memory_space<vmem>>
      %dma_wait3A_241 = tpu.memref_slice %arg3[%add3A_51] : memref<16384xi32, #tpu.memory_space<hbm>> -> memref<128xi32, #tpu.memory_space<hbm>>
      tpu.wait_dma2 semaphore(%run_scoped3A_225 : memref<!tpu.dma_semaphore, #tpu.memory_space<semaphore_mem>>) src(%dma_wait3A_241 : memref<128xi32, #tpu.memory_space<hbm>>) dst(%dma_wait3A_240 : memref<128xi32, #tpu.memory_space<vmem>>)
      tpu.yield
    }) : () -> ()
    %dma_start3A_53 = arith.constant 3 : i32
    %dma_start3A_54 = arith.constant 3 : i32
    %dma_start3A_55 = arith.constant 0 : i32
    %dma_start3A_56 = arith.constant 0 : i32
    %dma_start3A_57 = tpu.memref_slice %arg6[%dma_start3A_54, %dma_start3A_55, %dma_start3A_56] : memref<4x128x32xf32, #tpu.memory_space<vmem>> -> memref<1x128x32xf32, #tpu.memory_space<vmem>>
    %dma_start3A_58 = tpu.memref_squeeze %dma_start3A_57 : memref<1x128x32xf32, #tpu.memory_space<vmem>> -> memref<128x32xf32, #tpu.memory_space<vmem>>
    %dma_start3A_59 = arith.constant 0 : i32
    %dma_start3A_60 = tpu.memref_slice %arg5[%dma_start3A_53, %dma_start3A_59] : memref<4x128xi32, #tpu.memory_space<vmem>> -> memref<1x128xi32, #tpu.memory_space<vmem>>
    %dma_start3A_61 = tpu.memref_squeeze %dma_start3A_60 : memref<1x128xi32, #tpu.memory_space<vmem>> -> memref<128xi32, #tpu.memory_space<vmem>>
    %dma_start3A_62 = arith.constant 0 : i32
    %dma_start3A_63 = arith.constant 0 : i32
    %dma_start3A_64 = tpu.memref_slice %arg2[%dma_start3A_62, %dma_start3A_63] : memref<1000001x32xf32, #tpu.memory_space<hbm>> -> memref<1000001x32xf32, #tpu.memory_space<hbm>>
    tpu.enqueue_indirect_dma source(%dma_start3A_64 : memref<1000001x32xf32, #tpu.memory_space<hbm>>) target(%dma_start3A_58 : memref<128x32xf32, #tpu.memory_space<vmem>>) offsets(%dma_start3A_61 : memref<128xi32, #tpu.memory_space<vmem>>) semaphore(%arg7 : memref<!tpu.dma_semaphore, #tpu.memory_space<semaphore_mem>>)
    %dma_wait3A = arith.constant 0 : i32
    %dma_wait3A_65 = arith.constant 0 : i32
    %dma_wait3A_66 = arith.constant 0 : i32
    %dma_wait3A_67 = arith.constant 0 : i32
    %dma_wait3A_68 = tpu.memref_slice %arg6[%dma_wait3A_65, %dma_wait3A_66, %dma_wait3A_67] : memref<4x128x32xf32, #tpu.memory_space<vmem>> -> memref<1x128x32xf32, #tpu.memory_space<vmem>>
    %dma_wait3A_69 = tpu.memref_squeeze %dma_wait3A_68 : memref<1x128x32xf32, #tpu.memory_space<vmem>> -> memref<128x32xf32, #tpu.memory_space<vmem>>
    %dma_wait3A_70 = arith.constant 0 : i32
    %dma_wait3A_71 = tpu.memref_slice %arg5[%dma_wait3A, %dma_wait3A_70] : memref<4x128xi32, #tpu.memory_space<vmem>> -> memref<1x128xi32, #tpu.memory_space<vmem>>
    %dma_wait3A_72 = tpu.memref_squeeze %dma_wait3A_71 : memref<1x128xi32, #tpu.memory_space<vmem>> -> memref<128xi32, #tpu.memory_space<vmem>>
    %dma_wait3A_73 = arith.constant 0 : i32
    %dma_wait3A_74 = arith.constant 0 : i32
    %dma_wait3A_75 = tpu.memref_slice %arg2[%dma_wait3A_73, %dma_wait3A_74] : memref<1000001x32xf32, #tpu.memory_space<hbm>> -> memref<1000001x32xf32, #tpu.memory_space<hbm>>
    tpu.wait_indirect_dma semaphore(%arg7 : memref<!tpu.dma_semaphore, #tpu.memory_space<semaphore_mem>>) src(%dma_wait3A_75 : memref<1000001x32xf32, #tpu.memory_space<hbm>>) dst(%dma_wait3A_69 : memref<128x32xf32, #tpu.memory_space<vmem>>)
    %add3A_76 = arith.constant 0 : i32
    %add3A_77 = arith.addi %add3A_6, %add3A_76 : i32
    %dma_start3A_78 = arith.constant 0 : i32
    %dma_start3A_79 = arith.constant 0 : i32
    %dma_start3A_80 = arith.constant 0 : i32
    %dma_start3A_81 = tpu.memref_slice %arg6[%dma_start3A_78, %dma_start3A_79, %dma_start3A_80] : memref<4x128x32xf32, #tpu.memory_space<vmem>> -> memref<1x128x32xf32, #tpu.memory_space<vmem>>
    %dma_start3A_82 = tpu.memref_squeeze %dma_start3A_81 : memref<1x128x32xf32, #tpu.memory_space<vmem>> -> memref<128x32xf32, #tpu.memory_space<vmem>>
    %dma_start3A_83 = arith.constant 0 : i32
    %dma_start3A_84 = tpu.memref_slice %arg4[%add3A_77, %dma_start3A_83] : memref<16384x32xf32, #tpu.memory_space<hbm>> -> memref<128x32xf32, #tpu.memory_space<hbm>>
    %dma_start3A_85 = arith.constant 0 : i32
    %dma_start3A_86 = tpu.memref_slice %arg4[%add3A_77, %dma_start3A_85] : memref<16384x32xf32, #tpu.memory_space<hbm>> -> memref<128x32xf32, #tpu.memory_space<hbm>>
    %dma_start3A_87 = arith.constant 0 : i32
    %dma_start3A_88 = arith.constant 0 : i32
    %dma_start3A_89 = tpu.memref_slice %arg6[%dma_start3A_78, %dma_start3A_87, %dma_start3A_88] : memref<4x128x32xf32, #tpu.memory_space<vmem>> -> memref<1x128x32xf32, #tpu.memory_space<vmem>>
    %dma_start3A_90 = tpu.memref_squeeze %dma_start3A_89 : memref<1x128x32xf32, #tpu.memory_space<vmem>> -> memref<128x32xf32, #tpu.memory_space<vmem>>
    tpu.enqueue_dma source(%dma_start3A_90 : memref<128x32xf32, #tpu.memory_space<vmem>>) target(%dma_start3A_86 : memref<128x32xf32, #tpu.memory_space<hbm>>) target_semaphore(%arg8 : memref<!tpu.dma_semaphore, #tpu.memory_space<semaphore_mem>>)
    %dma_wait3A_91 = arith.constant 1 : i32
    %dma_wait3A_92 = arith.constant 1 : i32
    %dma_wait3A_93 = arith.constant 0 : i32
    %dma_wait3A_94 = arith.constant 0 : i32
    %dma_wait3A_95 = tpu.memref_slice %arg6[%dma_wait3A_92, %dma_wait3A_93, %dma_wait3A_94] : memref<4x128x32xf32, #tpu.memory_space<vmem>> -> memref<1x128x32xf32, #tpu.memory_space<vmem>>
    %dma_wait3A_96 = tpu.memref_squeeze %dma_wait3A_95 : memref<1x128x32xf32, #tpu.memory_space<vmem>> -> memref<128x32xf32, #tpu.memory_space<vmem>>
    %dma_wait3A_97 = arith.constant 0 : i32
    %dma_wait3A_98 = tpu.memref_slice %arg5[%dma_wait3A_91, %dma_wait3A_97] : memref<4x128xi32, #tpu.memory_space<vmem>> -> memref<1x128xi32, #tpu.memory_space<vmem>>
    %dma_wait3A_99 = tpu.memref_squeeze %dma_wait3A_98 : memref<1x128xi32, #tpu.memory_space<vmem>> -> memref<128xi32, #tpu.memory_space<vmem>>
    %dma_wait3A_100 = arith.constant 0 : i32
    %dma_wait3A_101 = arith.constant 0 : i32
    %dma_wait3A_102 = tpu.memref_slice %arg2[%dma_wait3A_100, %dma_wait3A_101] : memref<1000001x32xf32, #tpu.memory_space<hbm>> -> memref<1000001x32xf32, #tpu.memory_space<hbm>>
    tpu.wait_indirect_dma semaphore(%arg7 : memref<!tpu.dma_semaphore, #tpu.memory_space<semaphore_mem>>) src(%dma_wait3A_102 : memref<1000001x32xf32, #tpu.memory_space<hbm>>) dst(%dma_wait3A_96 : memref<128x32xf32, #tpu.memory_space<vmem>>)
    %add3A_103 = arith.constant 128 : i32
    %add3A_104 = arith.addi %add3A_6, %add3A_103 : i32
    %dma_start3A_105 = arith.constant 1 : i32
    %dma_start3A_106 = arith.constant 0 : i32
    %dma_start3A_107 = arith.constant 0 : i32
    %dma_start3A_108 = tpu.memref_slice %arg6[%dma_start3A_105, %dma_start3A_106, %dma_start3A_107] : memref<4x128x32xf32, #tpu.memory_space<vmem>> -> memref<1x128x32xf32, #tpu.memory_space<vmem>>
    %dma_start3A_109 = tpu.memref_squeeze %dma_start3A_108 : memref<1x128x32xf32, #tpu.memory_space<vmem>> -> memref<128x32xf32, #tpu.memory_space<vmem>>
    %dma_start3A_110 = arith.constant 0 : i32
    %dma_start3A_111 = tpu.memref_slice %arg4[%add3A_104, %dma_start3A_110] : memref<16384x32xf32, #tpu.memory_space<hbm>> -> memref<128x32xf32, #tpu.memory_space<hbm>>
    %dma_start3A_112 = arith.constant 0 : i32
    %dma_start3A_113 = tpu.memref_slice %arg4[%add3A_104, %dma_start3A_112] : memref<16384x32xf32, #tpu.memory_space<hbm>> -> memref<128x32xf32, #tpu.memory_space<hbm>>
    %dma_start3A_114 = arith.constant 0 : i32
    %dma_start3A_115 = arith.constant 0 : i32
    %dma_start3A_116 = tpu.memref_slice %arg6[%dma_start3A_105, %dma_start3A_114, %dma_start3A_115] : memref<4x128x32xf32, #tpu.memory_space<vmem>> -> memref<1x128x32xf32, #tpu.memory_space<vmem>>
    %dma_start3A_117 = tpu.memref_squeeze %dma_start3A_116 : memref<1x128x32xf32, #tpu.memory_space<vmem>> -> memref<128x32xf32, #tpu.memory_space<vmem>>
    tpu.enqueue_dma source(%dma_start3A_117 : memref<128x32xf32, #tpu.memory_space<vmem>>) target(%dma_start3A_113 : memref<128x32xf32, #tpu.memory_space<hbm>>) target_semaphore(%arg8 : memref<!tpu.dma_semaphore, #tpu.memory_space<semaphore_mem>>)
    %dma_wait3A_118 = arith.constant 2 : i32
    %dma_wait3A_119 = arith.constant 2 : i32
    %dma_wait3A_120 = arith.constant 0 : i32
    %dma_wait3A_121 = arith.constant 0 : i32
    %dma_wait3A_122 = tpu.memref_slice %arg6[%dma_wait3A_119, %dma_wait3A_120, %dma_wait3A_121] : memref<4x128x32xf32, #tpu.memory_space<vmem>> -> memref<1x128x32xf32, #tpu.memory_space<vmem>>
    %dma_wait3A_123 = tpu.memref_squeeze %dma_wait3A_122 : memref<1x128x32xf32, #tpu.memory_space<vmem>> -> memref<128x32xf32, #tpu.memory_space<vmem>>
    %dma_wait3A_124 = arith.constant 0 : i32
    %dma_wait3A_125 = tpu.memref_slice %arg5[%dma_wait3A_118, %dma_wait3A_124] : memref<4x128xi32, #tpu.memory_space<vmem>> -> memref<1x128xi32, #tpu.memory_space<vmem>>
    %dma_wait3A_126 = tpu.memref_squeeze %dma_wait3A_125 : memref<1x128xi32, #tpu.memory_space<vmem>> -> memref<128xi32, #tpu.memory_space<vmem>>
    %dma_wait3A_127 = arith.constant 0 : i32
    %dma_wait3A_128 = arith.constant 0 : i32
    %dma_wait3A_129 = tpu.memref_slice %arg2[%dma_wait3A_127, %dma_wait3A_128] : memref<1000001x32xf32, #tpu.memory_space<hbm>> -> memref<1000001x32xf32, #tpu.memory_space<hbm>>
    tpu.wait_indirect_dma semaphore(%arg7 : memref<!tpu.dma_semaphore, #tpu.memory_space<semaphore_mem>>) src(%dma_wait3A_129 : memref<1000001x32xf32, #tpu.memory_space<hbm>>) dst(%dma_wait3A_123 : memref<128x32xf32, #tpu.memory_space<vmem>>)
    %add3A_130 = arith.constant 256 : i32
    %add3A_131 = arith.addi %add3A_6, %add3A_130 : i32
    %dma_start3A_132 = arith.constant 2 : i32
    %dma_start3A_133 = arith.constant 0 : i32
    %dma_start3A_134 = arith.constant 0 : i32
    %dma_start3A_135 = tpu.memref_slice %arg6[%dma_start3A_132, %dma_start3A_133, %dma_start3A_134] : memref<4x128x32xf32, #tpu.memory_space<vmem>> -> memref<1x128x32xf32, #tpu.memory_space<vmem>>
    %dma_start3A_136 = tpu.memref_squeeze %dma_start3A_135 : memref<1x128x32xf32, #tpu.memory_space<vmem>> -> memref<128x32xf32, #tpu.memory_space<vmem>>
    %dma_start3A_137 = arith.constant 0 : i32
    %dma_start3A_138 = tpu.memref_slice %arg4[%add3A_131, %dma_start3A_137] : memref<16384x32xf32, #tpu.memory_space<hbm>> -> memref<128x32xf32, #tpu.memory_space<hbm>>
    %dma_start3A_139 = arith.constant 0 : i32
    %dma_start3A_140 = tpu.memref_slice %arg4[%add3A_131, %dma_start3A_139] : memref<16384x32xf32, #tpu.memory_space<hbm>> -> memref<128x32xf32, #tpu.memory_space<hbm>>
    %dma_start3A_141 = arith.constant 0 : i32
    %dma_start3A_142 = arith.constant 0 : i32
    %dma_start3A_143 = tpu.memref_slice %arg6[%dma_start3A_132, %dma_start3A_141, %dma_start3A_142] : memref<4x128x32xf32, #tpu.memory_space<vmem>> -> memref<1x128x32xf32, #tpu.memory_space<vmem>>
    %dma_start3A_144 = tpu.memref_squeeze %dma_start3A_143 : memref<1x128x32xf32, #tpu.memory_space<vmem>> -> memref<128x32xf32, #tpu.memory_space<vmem>>
    tpu.enqueue_dma source(%dma_start3A_144 : memref<128x32xf32, #tpu.memory_space<vmem>>) target(%dma_start3A_140 : memref<128x32xf32, #tpu.memory_space<hbm>>) target_semaphore(%arg8 : memref<!tpu.dma_semaphore, #tpu.memory_space<semaphore_mem>>)
    %dma_wait3A_145 = arith.constant 3 : i32
    %dma_wait3A_146 = arith.constant 3 : i32
    %dma_wait3A_147 = arith.constant 0 : i32
    %dma_wait3A_148 = arith.constant 0 : i32
    %dma_wait3A_149 = tpu.memref_slice %arg6[%dma_wait3A_146, %dma_wait3A_147, %dma_wait3A_148] : memref<4x128x32xf32, #tpu.memory_space<vmem>> -> memref<1x128x32xf32, #tpu.memory_space<vmem>>
    %dma_wait3A_150 = tpu.memref_squeeze %dma_wait3A_149 : memref<1x128x32xf32, #tpu.memory_space<vmem>> -> memref<128x32xf32, #tpu.memory_space<vmem>>
    %dma_wait3A_151 = arith.constant 0 : i32
    %dma_wait3A_152 = tpu.memref_slice %arg5[%dma_wait3A_145, %dma_wait3A_151] : memref<4x128xi32, #tpu.memory_space<vmem>> -> memref<1x128xi32, #tpu.memory_space<vmem>>
    %dma_wait3A_153 = tpu.memref_squeeze %dma_wait3A_152 : memref<1x128xi32, #tpu.memory_space<vmem>> -> memref<128xi32, #tpu.memory_space<vmem>>
    %dma_wait3A_154 = arith.constant 0 : i32
    %dma_wait3A_155 = arith.constant 0 : i32
    %dma_wait3A_156 = tpu.memref_slice %arg2[%dma_wait3A_154, %dma_wait3A_155] : memref<1000001x32xf32, #tpu.memory_space<hbm>> -> memref<1000001x32xf32, #tpu.memory_space<hbm>>
    tpu.wait_indirect_dma semaphore(%arg7 : memref<!tpu.dma_semaphore, #tpu.memory_space<semaphore_mem>>) src(%dma_wait3A_156 : memref<1000001x32xf32, #tpu.memory_space<hbm>>) dst(%dma_wait3A_150 : memref<128x32xf32, #tpu.memory_space<vmem>>)
    %add3A_157 = arith.constant 384 : i32
    %add3A_158 = arith.addi %add3A_6, %add3A_157 : i32
    %dma_start3A_159 = arith.constant 3 : i32
    %dma_start3A_160 = arith.constant 0 : i32
    %dma_start3A_161 = arith.constant 0 : i32
    %dma_start3A_162 = tpu.memref_slice %arg6[%dma_start3A_159, %dma_start3A_160, %dma_start3A_161] : memref<4x128x32xf32, #tpu.memory_space<vmem>> -> memref<1x128x32xf32, #tpu.memory_space<vmem>>
    %dma_start3A_163 = tpu.memref_squeeze %dma_start3A_162 : memref<1x128x32xf32, #tpu.memory_space<vmem>> -> memref<128x32xf32, #tpu.memory_space<vmem>>
    %dma_start3A_164 = arith.constant 0 : i32
    %dma_start3A_165 = tpu.memref_slice %arg4[%add3A_158, %dma_start3A_164] : memref<16384x32xf32, #tpu.memory_space<hbm>> -> memref<128x32xf32, #tpu.memory_space<hbm>>
    %dma_start3A_166 = arith.constant 0 : i32
    %dma_start3A_167 = tpu.memref_slice %arg4[%add3A_158, %dma_start3A_166] : memref<16384x32xf32, #tpu.memory_space<hbm>> -> memref<128x32xf32, #tpu.memory_space<hbm>>
    %dma_start3A_168 = arith.constant 0 : i32
    %dma_start3A_169 = arith.constant 0 : i32
    %dma_start3A_170 = tpu.memref_slice %arg6[%dma_start3A_159, %dma_start3A_168, %dma_start3A_169] : memref<4x128x32xf32, #tpu.memory_space<vmem>> -> memref<1x128x32xf32, #tpu.memory_space<vmem>>
    %dma_start3A_171 = tpu.memref_squeeze %dma_start3A_170 : memref<1x128x32xf32, #tpu.memory_space<vmem>> -> memref<128x32xf32, #tpu.memory_space<vmem>>
    tpu.enqueue_dma source(%dma_start3A_171 : memref<128x32xf32, #tpu.memory_space<vmem>>) target(%dma_start3A_167 : memref<128x32xf32, #tpu.memory_space<hbm>>) target_semaphore(%arg8 : memref<!tpu.dma_semaphore, #tpu.memory_space<semaphore_mem>>)
    %dma_wait3A_172 = arith.constant 0 : i32
    %dma_wait3A_173 = arith.constant 0 : i32
    %dma_wait3A_174 = arith.constant 0 : i32
    %dma_wait3A_175 = tpu.memref_slice %arg6[%dma_wait3A_172, %dma_wait3A_173, %dma_wait3A_174] : memref<4x128x32xf32, #tpu.memory_space<vmem>> -> memref<1x128x32xf32, #tpu.memory_space<vmem>>
    %dma_wait3A_176 = tpu.memref_squeeze %dma_wait3A_175 : memref<1x128x32xf32, #tpu.memory_space<vmem>> -> memref<128x32xf32, #tpu.memory_space<vmem>>
    %dma_wait3A_177 = arith.constant 0 : i32
    %dma_wait3A_178 = tpu.memref_slice %arg4[%add3A_77, %dma_wait3A_177] : memref<16384x32xf32, #tpu.memory_space<hbm>> -> memref<128x32xf32, #tpu.memory_space<hbm>>
    %dma_wait3A_179 = arith.constant 0 : i32
    %dma_wait3A_180 = tpu.memref_slice %arg4[%add3A_77, %dma_wait3A_179] : memref<16384x32xf32, #tpu.memory_space<hbm>> -> memref<128x32xf32, #tpu.memory_space<hbm>>
    %dma_wait3A_181 = arith.constant 0 : i32
    %dma_wait3A_182 = arith.constant 0 : i32
    %dma_wait3A_183 = tpu.memref_slice %arg6[%dma_wait3A_172, %dma_wait3A_181, %dma_wait3A_182] : memref<4x128x32xf32, #tpu.memory_space<vmem>> -> memref<1x128x32xf32, #tpu.memory_space<vmem>>
    %dma_wait3A_184 = tpu.memref_squeeze %dma_wait3A_183 : memref<1x128x32xf32, #tpu.memory_space<vmem>> -> memref<128x32xf32, #tpu.memory_space<vmem>>
    tpu.wait_dma2 semaphore(%arg8 : memref<!tpu.dma_semaphore, #tpu.memory_space<semaphore_mem>>) src(%dma_wait3A_184 : memref<128x32xf32, #tpu.memory_space<vmem>>) dst(%dma_wait3A_180 : memref<128x32xf32, #tpu.memory_space<hbm>>)
    %dma_wait3A_185 = arith.constant 1 : i32
    %dma_wait3A_186 = arith.constant 0 : i32
    %dma_wait3A_187 = arith.constant 0 : i32
    %dma_wait3A_188 = tpu.memref_slice %arg6[%dma_wait3A_185, %dma_wait3A_186, %dma_wait3A_187] : memref<4x128x32xf32, #tpu.memory_space<vmem>> -> memref<1x128x32xf32, #tpu.memory_space<vmem>>
    %dma_wait3A_189 = tpu.memref_squeeze %dma_wait3A_188 : memref<1x128x32xf32, #tpu.memory_space<vmem>> -> memref<128x32xf32, #tpu.memory_space<vmem>>
    %dma_wait3A_190 = arith.constant 0 : i32
    %dma_wait3A_191 = tpu.memref_slice %arg4[%add3A_104, %dma_wait3A_190] : memref<16384x32xf32, #tpu.memory_space<hbm>> -> memref<128x32xf32, #tpu.memory_space<hbm>>
    %dma_wait3A_192 = arith.constant 0 : i32
    %dma_wait3A_193 = tpu.memref_slice %arg4[%add3A_104, %dma_wait3A_192] : memref<16384x32xf32, #tpu.memory_space<hbm>> -> memref<128x32xf32, #tpu.memory_space<hbm>>
    %dma_wait3A_194 = arith.constant 0 : i32
    %dma_wait3A_195 = arith.constant 0 : i32
    %dma_wait3A_196 = tpu.memref_slice %arg6[%dma_wait3A_185, %dma_wait3A_194, %dma_wait3A_195] : memref<4x128x32xf32, #tpu.memory_space<vmem>> -> memref<1x128x32xf32, #tpu.memory_space<vmem>>
    %dma_wait3A_197 = tpu.memref_squeeze %dma_wait3A_196 : memref<1x128x32xf32, #tpu.memory_space<vmem>> -> memref<128x32xf32, #tpu.memory_space<vmem>>
    tpu.wait_dma2 semaphore(%arg8 : memref<!tpu.dma_semaphore, #tpu.memory_space<semaphore_mem>>) src(%dma_wait3A_197 : memref<128x32xf32, #tpu.memory_space<vmem>>) dst(%dma_wait3A_193 : memref<128x32xf32, #tpu.memory_space<hbm>>)
    %dma_wait3A_198 = arith.constant 2 : i32
    %dma_wait3A_199 = arith.constant 0 : i32
    %dma_wait3A_200 = arith.constant 0 : i32
    %dma_wait3A_201 = tpu.memref_slice %arg6[%dma_wait3A_198, %dma_wait3A_199, %dma_wait3A_200] : memref<4x128x32xf32, #tpu.memory_space<vmem>> -> memref<1x128x32xf32, #tpu.memory_space<vmem>>
    %dma_wait3A_202 = tpu.memref_squeeze %dma_wait3A_201 : memref<1x128x32xf32, #tpu.memory_space<vmem>> -> memref<128x32xf32, #tpu.memory_space<vmem>>
    %dma_wait3A_203 = arith.constant 0 : i32
    %dma_wait3A_204 = tpu.memref_slice %arg4[%add3A_131, %dma_wait3A_203] : memref<16384x32xf32, #tpu.memory_space<hbm>> -> memref<128x32xf32, #tpu.memory_space<hbm>>
    %dma_wait3A_205 = arith.constant 0 : i32
    %dma_wait3A_206 = tpu.memref_slice %arg4[%add3A_131, %dma_wait3A_205] : memref<16384x32xf32, #tpu.memory_space<hbm>> -> memref<128x32xf32, #tpu.memory_space<hbm>>
    %dma_wait3A_207 = arith.constant 0 : i32
    %dma_wait3A_208 = arith.constant 0 : i32
    %dma_wait3A_209 = tpu.memref_slice %arg6[%dma_wait3A_198, %dma_wait3A_207, %dma_wait3A_208] : memref<4x128x32xf32, #tpu.memory_space<vmem>> -> memref<1x128x32xf32, #tpu.memory_space<vmem>>
    %dma_wait3A_210 = tpu.memref_squeeze %dma_wait3A_209 : memref<1x128x32xf32, #tpu.memory_space<vmem>> -> memref<128x32xf32, #tpu.memory_space<vmem>>
    tpu.wait_dma2 semaphore(%arg8 : memref<!tpu.dma_semaphore, #tpu.memory_space<semaphore_mem>>) src(%dma_wait3A_210 : memref<128x32xf32, #tpu.memory_space<vmem>>) dst(%dma_wait3A_206 : memref<128x32xf32, #tpu.memory_space<hbm>>)
    %dma_wait3A_211 = arith.constant 3 : i32
    %dma_wait3A_212 = arith.constant 0 : i32
    %dma_wait3A_213 = arith.constant 0 : i32
    %dma_wait3A_214 = tpu.memref_slice %arg6[%dma_wait3A_211, %dma_wait3A_212, %dma_wait3A_213] : memref<4x128x32xf32, #tpu.memory_space<vmem>> -> memref<1x128x32xf32, #tpu.memory_space<vmem>>
    %dma_wait3A_215 = tpu.memref_squeeze %dma_wait3A_214 : memref<1x128x32xf32, #tpu.memory_space<vmem>> -> memref<128x32xf32, #tpu.memory_space<vmem>>
    %dma_wait3A_216 = arith.constant 0 : i32
    %dma_wait3A_217 = tpu.memref_slice %arg4[%add3A_158, %dma_wait3A_216] : memref<16384x32xf32, #tpu.memory_space<hbm>> -> memref<128x32xf32, #tpu.memory_space<hbm>>
    %dma_wait3A_218 = arith.constant 0 : i32
    %dma_wait3A_219 = tpu.memref_slice %arg4[%add3A_158, %dma_wait3A_218] : memref<16384x32xf32, #tpu.memory_space<hbm>> -> memref<128x32xf32, #tpu.memory_space<hbm>>
    %dma_wait3A_220 = arith.constant 0 : i32
    %dma_wait3A_221 = arith.constant 0 : i32
    %dma_wait3A_222 = tpu.memref_slice %arg6[%dma_wait3A_211, %dma_wait3A_220, %dma_wait3A_221] : memref<4x128x32xf32, #tpu.memory_space<vmem>> -> memref<1x128x32xf32, #tpu.memory_space<vmem>>
    %dma_wait3A_223 = tpu.memref_squeeze %dma_wait3A_222 : memref<1x128x32xf32, #tpu.memory_space<vmem>> -> memref<128x32xf32, #tpu.memory_space<vmem>>
    tpu.wait_dma2 semaphore(%arg8 : memref<!tpu.dma_semaphore, #tpu.memory_space<semaphore_mem>>) src(%dma_wait3A_223 : memref<128x32xf32, #tpu.memory_space<vmem>>) dst(%dma_wait3A_219 : memref<128x32xf32, #tpu.memory_space<hbm>>)
    %scan3A_224 = arith.constant 1 : i32
    return
  }
}

#map = affine_map<(d0, d1) -> (0, 0)>
#map1 = affine_map<(d0, d1) -> (0)>
module attributes {stable_mosaic.version = 14 : i64} {
  func.func @gather_k(%arg0: i32, %arg1: i32, %arg2: memref<1000000x32xf32, #tpu.memory_space<hbm>>, %arg3: memref<327680xi32, #tpu.memory_space<hbm>>, %arg4: memref<327680x32xf32, #tpu.memory_space<hbm>>, %arg5: memref<4x128xi32, #tpu.memory_space<vmem>>, %arg6: memref<4x128x32xf32, #tpu.memory_space<vmem>>, %arg7: memref<!tpu.dma_semaphore, #tpu.memory_space<semaphore_mem>>, %arg8: memref<!tpu.dma_semaphore, #tpu.memory_space<semaphore_mem>>) attributes {dimension_semantics = [#tpu.dimension_semantics<core_parallel>, #tpu.dimension_semantics<subcore_parallel>], iteration_bounds = array<i64: 2, 16>, scalar_prefetch = 0 : i64, scratch_operands = 4 : i64, tpu.core_type = #tpu.core_type<sc_vector_subcore>, window_params = [{transform_indices = #map}, {transform_indices = #map1}, {transform_indices = #map}]} {
    %mul3A = arith.constant 2 : i32
    %mul3A_0 = arith.muli %arg1, %mul3A : i32
    %add3A = arith.addi %mul3A_0, %arg0 : i32
    %mul3A_1 = arith.constant 10240 : i32
    %mul3A_2 = arith.muli %add3A, %mul3A_1 : i32
    %scan3A = arith.constant 0 : i32
    %scan3A_3 = arith.constant 0 : i32
    %scan3A_4 = arith.constant 20 : i32
    %scan3A_5 = arith.addi %scan3A_3, %scan3A_4 : i32
    %scan3A_6 = arith.constant 1 : i32
    scf.for %scan3A_8 = %scan3A_3 to %scan3A_5 step %scan3A_6  : i32 {
      %mul3A_9 = arith.constant 512 : i32
      %mul3A_10 = arith.muli %scan3A_8, %mul3A_9 : i32
      %add3A_11 = arith.addi %mul3A_2, %mul3A_10 : i32
      %add3A_12 = arith.constant 0 : i32
      %add3A_13 = arith.addi %add3A_11, %add3A_12 : i32
      %run_scoped3A = arith.constant 0 : i32
      "tpu.region"() ({
        %run_scoped3A_229 = tpu.sem_alloc : memref<!tpu.dma_semaphore, #tpu.memory_space<semaphore_mem>>
        %dma_start3A_230 = arith.constant 0 : i32
        %dma_start3A_231 = tpu.memref_slice %arg5[%run_scoped3A, %dma_start3A_230] : memref<4x128xi32, #tpu.memory_space<vmem>> -> memref<1x128xi32, #tpu.memory_space<vmem>>
        %dma_start3A_232 = tpu.memref_squeeze %dma_start3A_231 : memref<1x128xi32, #tpu.memory_space<vmem>> -> memref<128xi32, #tpu.memory_space<vmem>>
        %dma_start3A_233 = tpu.memref_slice %arg3[%add3A_13] : memref<327680xi32, #tpu.memory_space<hbm>> -> memref<128xi32, #tpu.memory_space<hbm>>
        %dma_start3A_234 = arith.constant 0 : i32
        %dma_start3A_235 = tpu.memref_slice %arg5[%run_scoped3A, %dma_start3A_234] : memref<4x128xi32, #tpu.memory_space<vmem>> -> memref<1x128xi32, #tpu.memory_space<vmem>>
        %dma_start3A_236 = tpu.memref_squeeze %dma_start3A_235 : memref<1x128xi32, #tpu.memory_space<vmem>> -> memref<128xi32, #tpu.memory_space<vmem>>
        %dma_start3A_237 = tpu.memref_slice %arg3[%add3A_13] : memref<327680xi32, #tpu.memory_space<hbm>> -> memref<128xi32, #tpu.memory_space<hbm>>
        tpu.enqueue_dma source(%dma_start3A_237 : memref<128xi32, #tpu.memory_space<hbm>>) target(%dma_start3A_236 : memref<128xi32, #tpu.memory_space<vmem>>) target_semaphore(%run_scoped3A_229 : memref<!tpu.dma_semaphore, #tpu.memory_space<semaphore_mem>>)
        %dma_wait3A_238 = arith.constant 0 : i32
        %dma_wait3A_239 = tpu.memref_slice %arg5[%run_scoped3A, %dma_wait3A_238] : memref<4x128xi32, #tpu.memory_space<vmem>> -> memref<1x128xi32, #tpu.memory_space<vmem>>
        %dma_wait3A_240 = tpu.memref_squeeze %dma_wait3A_239 : memref<1x128xi32, #tpu.memory_space<vmem>> -> memref<128xi32, #tpu.memory_space<vmem>>
        %dma_wait3A_241 = tpu.memref_slice %arg3[%add3A_13] : memref<327680xi32, #tpu.memory_space<hbm>> -> memref<128xi32, #tpu.memory_space<hbm>>
        %dma_wait3A_242 = arith.constant 0 : i32
        %dma_wait3A_243 = tpu.memref_slice %arg5[%run_scoped3A, %dma_wait3A_242] : memref<4x128xi32, #tpu.memory_space<vmem>> -> memref<1x128xi32, #tpu.memory_space<vmem>>
        %dma_wait3A_244 = tpu.memref_squeeze %dma_wait3A_243 : memref<1x128xi32, #tpu.memory_space<vmem>> -> memref<128xi32, #tpu.memory_space<vmem>>
        %dma_wait3A_245 = tpu.memref_slice %arg3[%add3A_13] : memref<327680xi32, #tpu.memory_space<hbm>> -> memref<128xi32, #tpu.memory_space<hbm>>
        tpu.wait_dma2 semaphore(%run_scoped3A_229 : memref<!tpu.dma_semaphore, #tpu.memory_space<semaphore_mem>>) src(%dma_wait3A_245 : memref<128xi32, #tpu.memory_space<hbm>>) dst(%dma_wait3A_244 : memref<128xi32, #tpu.memory_space<vmem>>)
        tpu.yield
      }) : () -> ()
      %dma_start3A = arith.constant 0 : i32
      %dma_start3A_14 = arith.constant 0 : i32
      %dma_start3A_15 = arith.constant 0 : i32
      %dma_start3A_16 = arith.constant 0 : i32
      %dma_start3A_17 = tpu.memref_slice %arg6[%dma_start3A_14, %dma_start3A_15, %dma_start3A_16] : memref<4x128x32xf32, #tpu.memory_space<vmem>> -> memref<1x128x32xf32, #tpu.memory_space<vmem>>
      %dma_start3A_18 = tpu.memref_squeeze %dma_start3A_17 : memref<1x128x32xf32, #tpu.memory_space<vmem>> -> memref<128x32xf32, #tpu.memory_space<vmem>>
      %dma_start3A_19 = arith.constant 0 : i32
      %dma_start3A_20 = tpu.memref_slice %arg5[%dma_start3A, %dma_start3A_19] : memref<4x128xi32, #tpu.memory_space<vmem>> -> memref<1x128xi32, #tpu.memory_space<vmem>>
      %dma_start3A_21 = tpu.memref_squeeze %dma_start3A_20 : memref<1x128xi32, #tpu.memory_space<vmem>> -> memref<128xi32, #tpu.memory_space<vmem>>
      %dma_start3A_22 = arith.constant 0 : i32
      %dma_start3A_23 = arith.constant 0 : i32
      %dma_start3A_24 = tpu.memref_slice %arg2[%dma_start3A_22, %dma_start3A_23] : memref<1000000x32xf32, #tpu.memory_space<hbm>> -> memref<1000000x32xf32, #tpu.memory_space<hbm>>
      tpu.enqueue_indirect_dma source(%dma_start3A_24 : memref<1000000x32xf32, #tpu.memory_space<hbm>>) target(%dma_start3A_18 : memref<128x32xf32, #tpu.memory_space<vmem>>) offsets(%dma_start3A_21 : memref<128xi32, #tpu.memory_space<vmem>>) semaphore(%arg7 : memref<!tpu.dma_semaphore, #tpu.memory_space<semaphore_mem>>)
      %add3A_25 = arith.constant 128 : i32
      %add3A_26 = arith.addi %add3A_11, %add3A_25 : i32
      %run_scoped3A_27 = arith.constant 1 : i32
      "tpu.region"() ({
        %run_scoped3A_229 = tpu.sem_alloc : memref<!tpu.dma_semaphore, #tpu.memory_space<semaphore_mem>>
        %dma_start3A_230 = arith.constant 0 : i32
        %dma_start3A_231 = tpu.memref_slice %arg5[%run_scoped3A_27, %dma_start3A_230] : memref<4x128xi32, #tpu.memory_space<vmem>> -> memref<1x128xi32, #tpu.memory_space<vmem>>
        %dma_start3A_232 = tpu.memref_squeeze %dma_start3A_231 : memref<1x128xi32, #tpu.memory_space<vmem>> -> memref<128xi32, #tpu.memory_space<vmem>>
        %dma_start3A_233 = tpu.memref_slice %arg3[%add3A_26] : memref<327680xi32, #tpu.memory_space<hbm>> -> memref<128xi32, #tpu.memory_space<hbm>>
        %dma_start3A_234 = arith.constant 0 : i32
        %dma_start3A_235 = tpu.memref_slice %arg5[%run_scoped3A_27, %dma_start3A_234] : memref<4x128xi32, #tpu.memory_space<vmem>> -> memref<1x128xi32, #tpu.memory_space<vmem>>
        %dma_start3A_236 = tpu.memref_squeeze %dma_start3A_235 : memref<1x128xi32, #tpu.memory_space<vmem>> -> memref<128xi32, #tpu.memory_space<vmem>>
        %dma_start3A_237 = tpu.memref_slice %arg3[%add3A_26] : memref<327680xi32, #tpu.memory_space<hbm>> -> memref<128xi32, #tpu.memory_space<hbm>>
        tpu.enqueue_dma source(%dma_start3A_237 : memref<128xi32, #tpu.memory_space<hbm>>) target(%dma_start3A_236 : memref<128xi32, #tpu.memory_space<vmem>>) target_semaphore(%run_scoped3A_229 : memref<!tpu.dma_semaphore, #tpu.memory_space<semaphore_mem>>)
        %dma_wait3A_238 = arith.constant 0 : i32
        %dma_wait3A_239 = tpu.memref_slice %arg5[%run_scoped3A_27, %dma_wait3A_238] : memref<4x128xi32, #tpu.memory_space<vmem>> -> memref<1x128xi32, #tpu.memory_space<vmem>>
        %dma_wait3A_240 = tpu.memref_squeeze %dma_wait3A_239 : memref<1x128xi32, #tpu.memory_space<vmem>> -> memref<128xi32, #tpu.memory_space<vmem>>
        %dma_wait3A_241 = tpu.memref_slice %arg3[%add3A_26] : memref<327680xi32, #tpu.memory_space<hbm>> -> memref<128xi32, #tpu.memory_space<hbm>>
        %dma_wait3A_242 = arith.constant 0 : i32
        %dma_wait3A_243 = tpu.memref_slice %arg5[%run_scoped3A_27, %dma_wait3A_242] : memref<4x128xi32, #tpu.memory_space<vmem>> -> memref<1x128xi32, #tpu.memory_space<vmem>>
        %dma_wait3A_244 = tpu.memref_squeeze %dma_wait3A_243 : memref<1x128xi32, #tpu.memory_space<vmem>> -> memref<128xi32, #tpu.memory_space<vmem>>
        %dma_wait3A_245 = tpu.memref_slice %arg3[%add3A_26] : memref<327680xi32, #tpu.memory_space<hbm>> -> memref<128xi32, #tpu.memory_space<hbm>>
        tpu.wait_dma2 semaphore(%run_scoped3A_229 : memref<!tpu.dma_semaphore, #tpu.memory_space<semaphore_mem>>) src(%dma_wait3A_245 : memref<128xi32, #tpu.memory_space<hbm>>) dst(%dma_wait3A_244 : memref<128xi32, #tpu.memory_space<vmem>>)
        tpu.yield
      }) : () -> ()
      %dma_start3A_28 = arith.constant 1 : i32
      %dma_start3A_29 = arith.constant 1 : i32
      %dma_start3A_30 = arith.constant 0 : i32
      %dma_start3A_31 = arith.constant 0 : i32
      %dma_start3A_32 = tpu.memref_slice %arg6[%dma_start3A_29, %dma_start3A_30, %dma_start3A_31] : memref<4x128x32xf32, #tpu.memory_space<vmem>> -> memref<1x128x32xf32, #tpu.memory_space<vmem>>
      %dma_start3A_33 = tpu.memref_squeeze %dma_start3A_32 : memref<1x128x32xf32, #tpu.memory_space<vmem>> -> memref<128x32xf32, #tpu.memory_space<vmem>>
      %dma_start3A_34 = arith.constant 0 : i32
      %dma_start3A_35 = tpu.memref_slice %arg5[%dma_start3A_28, %dma_start3A_34] : memref<4x128xi32, #tpu.memory_space<vmem>> -> memref<1x128xi32, #tpu.memory_space<vmem>>
      %dma_start3A_36 = tpu.memref_squeeze %dma_start3A_35 : memref<1x128xi32, #tpu.memory_space<vmem>> -> memref<128xi32, #tpu.memory_space<vmem>>
      %dma_start3A_37 = arith.constant 0 : i32
      %dma_start3A_38 = arith.constant 0 : i32
      %dma_start3A_39 = tpu.memref_slice %arg2[%dma_start3A_37, %dma_start3A_38] : memref<1000000x32xf32, #tpu.memory_space<hbm>> -> memref<1000000x32xf32, #tpu.memory_space<hbm>>
      tpu.enqueue_indirect_dma source(%dma_start3A_39 : memref<1000000x32xf32, #tpu.memory_space<hbm>>) target(%dma_start3A_33 : memref<128x32xf32, #tpu.memory_space<vmem>>) offsets(%dma_start3A_36 : memref<128xi32, #tpu.memory_space<vmem>>) semaphore(%arg7 : memref<!tpu.dma_semaphore, #tpu.memory_space<semaphore_mem>>)
      %add3A_40 = arith.constant 256 : i32
      %add3A_41 = arith.addi %add3A_11, %add3A_40 : i32
      %run_scoped3A_42 = arith.constant 2 : i32
      "tpu.region"() ({
        %run_scoped3A_229 = tpu.sem_alloc : memref<!tpu.dma_semaphore, #tpu.memory_space<semaphore_mem>>
        %dma_start3A_230 = arith.constant 0 : i32
        %dma_start3A_231 = tpu.memref_slice %arg5[%run_scoped3A_42, %dma_start3A_230] : memref<4x128xi32, #tpu.memory_space<vmem>> -> memref<1x128xi32, #tpu.memory_space<vmem>>
        %dma_start3A_232 = tpu.memref_squeeze %dma_start3A_231 : memref<1x128xi32, #tpu.memory_space<vmem>> -> memref<128xi32, #tpu.memory_space<vmem>>
        %dma_start3A_233 = tpu.memref_slice %arg3[%add3A_41] : memref<327680xi32, #tpu.memory_space<hbm>> -> memref<128xi32, #tpu.memory_space<hbm>>
        %dma_start3A_234 = arith.constant 0 : i32
        %dma_start3A_235 = tpu.memref_slice %arg5[%run_scoped3A_42, %dma_start3A_234] : memref<4x128xi32, #tpu.memory_space<vmem>> -> memref<1x128xi32, #tpu.memory_space<vmem>>
        %dma_start3A_236 = tpu.memref_squeeze %dma_start3A_235 : memref<1x128xi32, #tpu.memory_space<vmem>> -> memref<128xi32, #tpu.memory_space<vmem>>
        %dma_start3A_237 = tpu.memref_slice %arg3[%add3A_41] : memref<327680xi32, #tpu.memory_space<hbm>> -> memref<128xi32, #tpu.memory_space<hbm>>
        tpu.enqueue_dma source(%dma_start3A_237 : memref<128xi32, #tpu.memory_space<hbm>>) target(%dma_start3A_236 : memref<128xi32, #tpu.memory_space<vmem>>) target_semaphore(%run_scoped3A_229 : memref<!tpu.dma_semaphore, #tpu.memory_space<semaphore_mem>>)
        %dma_wait3A_238 = arith.constant 0 : i32
        %dma_wait3A_239 = tpu.memref_slice %arg5[%run_scoped3A_42, %dma_wait3A_238] : memref<4x128xi32, #tpu.memory_space<vmem>> -> memref<1x128xi32, #tpu.memory_space<vmem>>
        %dma_wait3A_240 = tpu.memref_squeeze %dma_wait3A_239 : memref<1x128xi32, #tpu.memory_space<vmem>> -> memref<128xi32, #tpu.memory_space<vmem>>
        %dma_wait3A_241 = tpu.memref_slice %arg3[%add3A_41] : memref<327680xi32, #tpu.memory_space<hbm>> -> memref<128xi32, #tpu.memory_space<hbm>>
        %dma_wait3A_242 = arith.constant 0 : i32
        %dma_wait3A_243 = tpu.memref_slice %arg5[%run_scoped3A_42, %dma_wait3A_242] : memref<4x128xi32, #tpu.memory_space<vmem>> -> memref<1x128xi32, #tpu.memory_space<vmem>>
        %dma_wait3A_244 = tpu.memref_squeeze %dma_wait3A_243 : memref<1x128xi32, #tpu.memory_space<vmem>> -> memref<128xi32, #tpu.memory_space<vmem>>
        %dma_wait3A_245 = tpu.memref_slice %arg3[%add3A_41] : memref<327680xi32, #tpu.memory_space<hbm>> -> memref<128xi32, #tpu.memory_space<hbm>>
        tpu.wait_dma2 semaphore(%run_scoped3A_229 : memref<!tpu.dma_semaphore, #tpu.memory_space<semaphore_mem>>) src(%dma_wait3A_245 : memref<128xi32, #tpu.memory_space<hbm>>) dst(%dma_wait3A_244 : memref<128xi32, #tpu.memory_space<vmem>>)
        tpu.yield
      }) : () -> ()
      %dma_start3A_43 = arith.constant 2 : i32
      %dma_start3A_44 = arith.constant 2 : i32
      %dma_start3A_45 = arith.constant 0 : i32
      %dma_start3A_46 = arith.constant 0 : i32
      %dma_start3A_47 = tpu.memref_slice %arg6[%dma_start3A_44, %dma_start3A_45, %dma_start3A_46] : memref<4x128x32xf32, #tpu.memory_space<vmem>> -> memref<1x128x32xf32, #tpu.memory_space<vmem>>
      %dma_start3A_48 = tpu.memref_squeeze %dma_start3A_47 : memref<1x128x32xf32, #tpu.memory_space<vmem>> -> memref<128x32xf32, #tpu.memory_space<vmem>>
      %dma_start3A_49 = arith.constant 0 : i32
      %dma_start3A_50 = tpu.memref_slice %arg5[%dma_start3A_43, %dma_start3A_49] : memref<4x128xi32, #tpu.memory_space<vmem>> -> memref<1x128xi32, #tpu.memory_space<vmem>>
      %dma_start3A_51 = tpu.memref_squeeze %dma_start3A_50 : memref<1x128xi32, #tpu.memory_space<vmem>> -> memref<128xi32, #tpu.memory_space<vmem>>
      %dma_start3A_52 = arith.constant 0 : i32
      %dma_start3A_53 = arith.constant 0 : i32
      %dma_start3A_54 = tpu.memref_slice %arg2[%dma_start3A_52, %dma_start3A_53] : memref<1000000x32xf32, #tpu.memory_space<hbm>> -> memref<1000000x32xf32, #tpu.memory_space<hbm>>
      tpu.enqueue_indirect_dma source(%dma_start3A_54 : memref<1000000x32xf32, #tpu.memory_space<hbm>>) target(%dma_start3A_48 : memref<128x32xf32, #tpu.memory_space<vmem>>) offsets(%dma_start3A_51 : memref<128xi32, #tpu.memory_space<vmem>>) semaphore(%arg7 : memref<!tpu.dma_semaphore, #tpu.memory_space<semaphore_mem>>)
      %add3A_55 = arith.constant 384 : i32
      %add3A_56 = arith.addi %add3A_11, %add3A_55 : i32
      %run_scoped3A_57 = arith.constant 3 : i32
      "tpu.region"() ({
        %run_scoped3A_229 = tpu.sem_alloc : memref<!tpu.dma_semaphore, #tpu.memory_space<semaphore_mem>>
        %dma_start3A_230 = arith.constant 0 : i32
        %dma_start3A_231 = tpu.memref_slice %arg5[%run_scoped3A_57, %dma_start3A_230] : memref<4x128xi32, #tpu.memory_space<vmem>> -> memref<1x128xi32, #tpu.memory_space<vmem>>
        %dma_start3A_232 = tpu.memref_squeeze %dma_start3A_231 : memref<1x128xi32, #tpu.memory_space<vmem>> -> memref<128xi32, #tpu.memory_space<vmem>>
        %dma_start3A_233 = tpu.memref_slice %arg3[%add3A_56] : memref<327680xi32, #tpu.memory_space<hbm>> -> memref<128xi32, #tpu.memory_space<hbm>>
        %dma_start3A_234 = arith.constant 0 : i32
        %dma_start3A_235 = tpu.memref_slice %arg5[%run_scoped3A_57, %dma_start3A_234] : memref<4x128xi32, #tpu.memory_space<vmem>> -> memref<1x128xi32, #tpu.memory_space<vmem>>
        %dma_start3A_236 = tpu.memref_squeeze %dma_start3A_235 : memref<1x128xi32, #tpu.memory_space<vmem>> -> memref<128xi32, #tpu.memory_space<vmem>>
        %dma_start3A_237 = tpu.memref_slice %arg3[%add3A_56] : memref<327680xi32, #tpu.memory_space<hbm>> -> memref<128xi32, #tpu.memory_space<hbm>>
        tpu.enqueue_dma source(%dma_start3A_237 : memref<128xi32, #tpu.memory_space<hbm>>) target(%dma_start3A_236 : memref<128xi32, #tpu.memory_space<vmem>>) target_semaphore(%run_scoped3A_229 : memref<!tpu.dma_semaphore, #tpu.memory_space<semaphore_mem>>)
        %dma_wait3A_238 = arith.constant 0 : i32
        %dma_wait3A_239 = tpu.memref_slice %arg5[%run_scoped3A_57, %dma_wait3A_238] : memref<4x128xi32, #tpu.memory_space<vmem>> -> memref<1x128xi32, #tpu.memory_space<vmem>>
        %dma_wait3A_240 = tpu.memref_squeeze %dma_wait3A_239 : memref<1x128xi32, #tpu.memory_space<vmem>> -> memref<128xi32, #tpu.memory_space<vmem>>
        %dma_wait3A_241 = tpu.memref_slice %arg3[%add3A_56] : memref<327680xi32, #tpu.memory_space<hbm>> -> memref<128xi32, #tpu.memory_space<hbm>>
        %dma_wait3A_242 = arith.constant 0 : i32
        %dma_wait3A_243 = tpu.memref_slice %arg5[%run_scoped3A_57, %dma_wait3A_242] : memref<4x128xi32, #tpu.memory_space<vmem>> -> memref<1x128xi32, #tpu.memory_space<vmem>>
        %dma_wait3A_244 = tpu.memref_squeeze %dma_wait3A_243 : memref<1x128xi32, #tpu.memory_space<vmem>> -> memref<128xi32, #tpu.memory_space<vmem>>
        %dma_wait3A_245 = tpu.memref_slice %arg3[%add3A_56] : memref<327680xi32, #tpu.memory_space<hbm>> -> memref<128xi32, #tpu.memory_space<hbm>>
        tpu.wait_dma2 semaphore(%run_scoped3A_229 : memref<!tpu.dma_semaphore, #tpu.memory_space<semaphore_mem>>) src(%dma_wait3A_245 : memref<128xi32, #tpu.memory_space<hbm>>) dst(%dma_wait3A_244 : memref<128xi32, #tpu.memory_space<vmem>>)
        tpu.yield
      }) : () -> ()
      %dma_start3A_58 = arith.constant 3 : i32
      %dma_start3A_59 = arith.constant 3 : i32
      %dma_start3A_60 = arith.constant 0 : i32
      %dma_start3A_61 = arith.constant 0 : i32
      %dma_start3A_62 = tpu.memref_slice %arg6[%dma_start3A_59, %dma_start3A_60, %dma_start3A_61] : memref<4x128x32xf32, #tpu.memory_space<vmem>> -> memref<1x128x32xf32, #tpu.memory_space<vmem>>
      %dma_start3A_63 = tpu.memref_squeeze %dma_start3A_62 : memref<1x128x32xf32, #tpu.memory_space<vmem>> -> memref<128x32xf32, #tpu.memory_space<vmem>>
      %dma_start3A_64 = arith.constant 0 : i32
      %dma_start3A_65 = tpu.memref_slice %arg5[%dma_start3A_58, %dma_start3A_64] : memref<4x128xi32, #tpu.memory_space<vmem>> -> memref<1x128xi32, #tpu.memory_space<vmem>>
      %dma_start3A_66 = tpu.memref_squeeze %dma_start3A_65 : memref<1x128xi32, #tpu.memory_space<vmem>> -> memref<128xi32, #tpu.memory_space<vmem>>
      %dma_start3A_67 = arith.constant 0 : i32
      %dma_start3A_68 = arith.constant 0 : i32
      %dma_start3A_69 = tpu.memref_slice %arg2[%dma_start3A_67, %dma_start3A_68] : memref<1000000x32xf32, #tpu.memory_space<hbm>> -> memref<1000000x32xf32, #tpu.memory_space<hbm>>
      tpu.enqueue_indirect_dma source(%dma_start3A_69 : memref<1000000x32xf32, #tpu.memory_space<hbm>>) target(%dma_start3A_63 : memref<128x32xf32, #tpu.memory_space<vmem>>) offsets(%dma_start3A_66 : memref<128xi32, #tpu.memory_space<vmem>>) semaphore(%arg7 : memref<!tpu.dma_semaphore, #tpu.memory_space<semaphore_mem>>)
      %dma_wait3A = arith.constant 0 : i32
      %dma_wait3A_70 = arith.constant 0 : i32
      %dma_wait3A_71 = arith.constant 0 : i32
      %dma_wait3A_72 = arith.constant 0 : i32
      %dma_wait3A_73 = tpu.memref_slice %arg6[%dma_wait3A_70, %dma_wait3A_71, %dma_wait3A_72] : memref<4x128x32xf32, #tpu.memory_space<vmem>> -> memref<1x128x32xf32, #tpu.memory_space<vmem>>
      %dma_wait3A_74 = tpu.memref_squeeze %dma_wait3A_73 : memref<1x128x32xf32, #tpu.memory_space<vmem>> -> memref<128x32xf32, #tpu.memory_space<vmem>>
      %dma_wait3A_75 = arith.constant 0 : i32
      %dma_wait3A_76 = tpu.memref_slice %arg5[%dma_wait3A, %dma_wait3A_75] : memref<4x128xi32, #tpu.memory_space<vmem>> -> memref<1x128xi32, #tpu.memory_space<vmem>>
      %dma_wait3A_77 = tpu.memref_squeeze %dma_wait3A_76 : memref<1x128xi32, #tpu.memory_space<vmem>> -> memref<128xi32, #tpu.memory_space<vmem>>
      %dma_wait3A_78 = arith.constant 0 : i32
      %dma_wait3A_79 = arith.constant 0 : i32
      %dma_wait3A_80 = tpu.memref_slice %arg2[%dma_wait3A_78, %dma_wait3A_79] : memref<1000000x32xf32, #tpu.memory_space<hbm>> -> memref<1000000x32xf32, #tpu.memory_space<hbm>>
      tpu.wait_indirect_dma semaphore(%arg7 : memref<!tpu.dma_semaphore, #tpu.memory_space<semaphore_mem>>) src(%dma_wait3A_80 : memref<1000000x32xf32, #tpu.memory_space<hbm>>) dst(%dma_wait3A_74 : memref<128x32xf32, #tpu.memory_space<vmem>>)
      %add3A_81 = arith.constant 0 : i32
      %add3A_82 = arith.addi %add3A_11, %add3A_81 : i32
      %dma_start3A_83 = arith.constant 0 : i32
      %dma_start3A_84 = arith.constant 0 : i32
      %dma_start3A_85 = arith.constant 0 : i32
      %dma_start3A_86 = tpu.memref_slice %arg6[%dma_start3A_83, %dma_start3A_84, %dma_start3A_85] : memref<4x128x32xf32, #tpu.memory_space<vmem>> -> memref<1x128x32xf32, #tpu.memory_space<vmem>>
      %dma_start3A_87 = tpu.memref_squeeze %dma_start3A_86 : memref<1x128x32xf32, #tpu.memory_space<vmem>> -> memref<128x32xf32, #tpu.memory_space<vmem>>
      %dma_start3A_88 = arith.constant 0 : i32
      %dma_start3A_89 = tpu.memref_slice %arg4[%add3A_82, %dma_start3A_88] : memref<327680x32xf32, #tpu.memory_space<hbm>> -> memref<128x32xf32, #tpu.memory_space<hbm>>
      %dma_start3A_90 = arith.constant 0 : i32
      %dma_start3A_91 = tpu.memref_slice %arg4[%add3A_82, %dma_start3A_90] : memref<327680x32xf32, #tpu.memory_space<hbm>> -> memref<128x32xf32, #tpu.memory_space<hbm>>
      %dma_start3A_92 = arith.constant 0 : i32
      %dma_start3A_93 = arith.constant 0 : i32
      %dma_start3A_94 = tpu.memref_slice %arg6[%dma_start3A_83, %dma_start3A_92, %dma_start3A_93] : memref<4x128x32xf32, #tpu.memory_space<vmem>> -> memref<1x128x32xf32, #tpu.memory_space<vmem>>
      %dma_start3A_95 = tpu.memref_squeeze %dma_start3A_94 : memref<1x128x32xf32, #tpu.memory_space<vmem>> -> memref<128x32xf32, #tpu.memory_space<vmem>>
      tpu.enqueue_dma source(%dma_start3A_95 : memref<128x32xf32, #tpu.memory_space<vmem>>) target(%dma_start3A_91 : memref<128x32xf32, #tpu.memory_space<hbm>>) target_semaphore(%arg8 : memref<!tpu.dma_semaphore, #tpu.memory_space<semaphore_mem>>)
      %dma_wait3A_96 = arith.constant 1 : i32
      %dma_wait3A_97 = arith.constant 1 : i32
      %dma_wait3A_98 = arith.constant 0 : i32
      %dma_wait3A_99 = arith.constant 0 : i32
      %dma_wait3A_100 = tpu.memref_slice %arg6[%dma_wait3A_97, %dma_wait3A_98, %dma_wait3A_99] : memref<4x128x32xf32, #tpu.memory_space<vmem>> -> memref<1x128x32xf32, #tpu.memory_space<vmem>>
      %dma_wait3A_101 = tpu.memref_squeeze %dma_wait3A_100 : memref<1x128x32xf32, #tpu.memory_space<vmem>> -> memref<128x32xf32, #tpu.memory_space<vmem>>
      %dma_wait3A_102 = arith.constant 0 : i32
      %dma_wait3A_103 = tpu.memref_slice %arg5[%dma_wait3A_96, %dma_wait3A_102] : memref<4x128xi32, #tpu.memory_space<vmem>> -> memref<1x128xi32, #tpu.memory_space<vmem>>
      %dma_wait3A_104 = tpu.memref_squeeze %dma_wait3A_103 : memref<1x128xi32, #tpu.memory_space<vmem>> -> memref<128xi32, #tpu.memory_space<vmem>>
      %dma_wait3A_105 = arith.constant 0 : i32
      %dma_wait3A_106 = arith.constant 0 : i32
      %dma_wait3A_107 = tpu.memref_slice %arg2[%dma_wait3A_105, %dma_wait3A_106] : memref<1000000x32xf32, #tpu.memory_space<hbm>> -> memref<1000000x32xf32, #tpu.memory_space<hbm>>
      tpu.wait_indirect_dma semaphore(%arg7 : memref<!tpu.dma_semaphore, #tpu.memory_space<semaphore_mem>>) src(%dma_wait3A_107 : memref<1000000x32xf32, #tpu.memory_space<hbm>>) dst(%dma_wait3A_101 : memref<128x32xf32, #tpu.memory_space<vmem>>)
      %add3A_108 = arith.constant 128 : i32
      %add3A_109 = arith.addi %add3A_11, %add3A_108 : i32
      %dma_start3A_110 = arith.constant 1 : i32
      %dma_start3A_111 = arith.constant 0 : i32
      %dma_start3A_112 = arith.constant 0 : i32
      %dma_start3A_113 = tpu.memref_slice %arg6[%dma_start3A_110, %dma_start3A_111, %dma_start3A_112] : memref<4x128x32xf32, #tpu.memory_space<vmem>> -> memref<1x128x32xf32, #tpu.memory_space<vmem>>
      %dma_start3A_114 = tpu.memref_squeeze %dma_start3A_113 : memref<1x128x32xf32, #tpu.memory_space<vmem>> -> memref<128x32xf32, #tpu.memory_space<vmem>>
      %dma_start3A_115 = arith.constant 0 : i32
      %dma_start3A_116 = tpu.memref_slice %arg4[%add3A_109, %dma_start3A_115] : memref<327680x32xf32, #tpu.memory_space<hbm>> -> memref<128x32xf32, #tpu.memory_space<hbm>>
      %dma_start3A_117 = arith.constant 0 : i32
      %dma_start3A_118 = tpu.memref_slice %arg4[%add3A_109, %dma_start3A_117] : memref<327680x32xf32, #tpu.memory_space<hbm>> -> memref<128x32xf32, #tpu.memory_space<hbm>>
      %dma_start3A_119 = arith.constant 0 : i32
      %dma_start3A_120 = arith.constant 0 : i32
      %dma_start3A_121 = tpu.memref_slice %arg6[%dma_start3A_110, %dma_start3A_119, %dma_start3A_120] : memref<4x128x32xf32, #tpu.memory_space<vmem>> -> memref<1x128x32xf32, #tpu.memory_space<vmem>>
      %dma_start3A_122 = tpu.memref_squeeze %dma_start3A_121 : memref<1x128x32xf32, #tpu.memory_space<vmem>> -> memref<128x32xf32, #tpu.memory_space<vmem>>
      tpu.enqueue_dma source(%dma_start3A_122 : memref<128x32xf32, #tpu.memory_space<vmem>>) target(%dma_start3A_118 : memref<128x32xf32, #tpu.memory_space<hbm>>) target_semaphore(%arg8 : memref<!tpu.dma_semaphore, #tpu.memory_space<semaphore_mem>>)
      %dma_wait3A_123 = arith.constant 2 : i32
      %dma_wait3A_124 = arith.constant 2 : i32
      %dma_wait3A_125 = arith.constant 0 : i32
      %dma_wait3A_126 = arith.constant 0 : i32
      %dma_wait3A_127 = tpu.memref_slice %arg6[%dma_wait3A_124, %dma_wait3A_125, %dma_wait3A_126] : memref<4x128x32xf32, #tpu.memory_space<vmem>> -> memref<1x128x32xf32, #tpu.memory_space<vmem>>
      %dma_wait3A_128 = tpu.memref_squeeze %dma_wait3A_127 : memref<1x128x32xf32, #tpu.memory_space<vmem>> -> memref<128x32xf32, #tpu.memory_space<vmem>>
      %dma_wait3A_129 = arith.constant 0 : i32
      %dma_wait3A_130 = tpu.memref_slice %arg5[%dma_wait3A_123, %dma_wait3A_129] : memref<4x128xi32, #tpu.memory_space<vmem>> -> memref<1x128xi32, #tpu.memory_space<vmem>>
      %dma_wait3A_131 = tpu.memref_squeeze %dma_wait3A_130 : memref<1x128xi32, #tpu.memory_space<vmem>> -> memref<128xi32, #tpu.memory_space<vmem>>
      %dma_wait3A_132 = arith.constant 0 : i32
      %dma_wait3A_133 = arith.constant 0 : i32
      %dma_wait3A_134 = tpu.memref_slice %arg2[%dma_wait3A_132, %dma_wait3A_133] : memref<1000000x32xf32, #tpu.memory_space<hbm>> -> memref<1000000x32xf32, #tpu.memory_space<hbm>>
      tpu.wait_indirect_dma semaphore(%arg7 : memref<!tpu.dma_semaphore, #tpu.memory_space<semaphore_mem>>) src(%dma_wait3A_134 : memref<1000000x32xf32, #tpu.memory_space<hbm>>) dst(%dma_wait3A_128 : memref<128x32xf32, #tpu.memory_space<vmem>>)
      %add3A_135 = arith.constant 256 : i32
      %add3A_136 = arith.addi %add3A_11, %add3A_135 : i32
      %dma_start3A_137 = arith.constant 2 : i32
      %dma_start3A_138 = arith.constant 0 : i32
      %dma_start3A_139 = arith.constant 0 : i32
      %dma_start3A_140 = tpu.memref_slice %arg6[%dma_start3A_137, %dma_start3A_138, %dma_start3A_139] : memref<4x128x32xf32, #tpu.memory_space<vmem>> -> memref<1x128x32xf32, #tpu.memory_space<vmem>>
      %dma_start3A_141 = tpu.memref_squeeze %dma_start3A_140 : memref<1x128x32xf32, #tpu.memory_space<vmem>> -> memref<128x32xf32, #tpu.memory_space<vmem>>
      %dma_start3A_142 = arith.constant 0 : i32
      %dma_start3A_143 = tpu.memref_slice %arg4[%add3A_136, %dma_start3A_142] : memref<327680x32xf32, #tpu.memory_space<hbm>> -> memref<128x32xf32, #tpu.memory_space<hbm>>
      %dma_start3A_144 = arith.constant 0 : i32
      %dma_start3A_145 = tpu.memref_slice %arg4[%add3A_136, %dma_start3A_144] : memref<327680x32xf32, #tpu.memory_space<hbm>> -> memref<128x32xf32, #tpu.memory_space<hbm>>
      %dma_start3A_146 = arith.constant 0 : i32
      %dma_start3A_147 = arith.constant 0 : i32
      %dma_start3A_148 = tpu.memref_slice %arg6[%dma_start3A_137, %dma_start3A_146, %dma_start3A_147] : memref<4x128x32xf32, #tpu.memory_space<vmem>> -> memref<1x128x32xf32, #tpu.memory_space<vmem>>
      %dma_start3A_149 = tpu.memref_squeeze %dma_start3A_148 : memref<1x128x32xf32, #tpu.memory_space<vmem>> -> memref<128x32xf32, #tpu.memory_space<vmem>>
      tpu.enqueue_dma source(%dma_start3A_149 : memref<128x32xf32, #tpu.memory_space<vmem>>) target(%dma_start3A_145 : memref<128x32xf32, #tpu.memory_space<hbm>>) target_semaphore(%arg8 : memref<!tpu.dma_semaphore, #tpu.memory_space<semaphore_mem>>)
      %dma_wait3A_150 = arith.constant 3 : i32
      %dma_wait3A_151 = arith.constant 3 : i32
      %dma_wait3A_152 = arith.constant 0 : i32
      %dma_wait3A_153 = arith.constant 0 : i32
      %dma_wait3A_154 = tpu.memref_slice %arg6[%dma_wait3A_151, %dma_wait3A_152, %dma_wait3A_153] : memref<4x128x32xf32, #tpu.memory_space<vmem>> -> memref<1x128x32xf32, #tpu.memory_space<vmem>>
      %dma_wait3A_155 = tpu.memref_squeeze %dma_wait3A_154 : memref<1x128x32xf32, #tpu.memory_space<vmem>> -> memref<128x32xf32, #tpu.memory_space<vmem>>
      %dma_wait3A_156 = arith.constant 0 : i32
      %dma_wait3A_157 = tpu.memref_slice %arg5[%dma_wait3A_150, %dma_wait3A_156] : memref<4x128xi32, #tpu.memory_space<vmem>> -> memref<1x128xi32, #tpu.memory_space<vmem>>
      %dma_wait3A_158 = tpu.memref_squeeze %dma_wait3A_157 : memref<1x128xi32, #tpu.memory_space<vmem>> -> memref<128xi32, #tpu.memory_space<vmem>>
      %dma_wait3A_159 = arith.constant 0 : i32
      %dma_wait3A_160 = arith.constant 0 : i32
      %dma_wait3A_161 = tpu.memref_slice %arg2[%dma_wait3A_159, %dma_wait3A_160] : memref<1000000x32xf32, #tpu.memory_space<hbm>> -> memref<1000000x32xf32, #tpu.memory_space<hbm>>
      tpu.wait_indirect_dma semaphore(%arg7 : memref<!tpu.dma_semaphore, #tpu.memory_space<semaphore_mem>>) src(%dma_wait3A_161 : memref<1000000x32xf32, #tpu.memory_space<hbm>>) dst(%dma_wait3A_155 : memref<128x32xf32, #tpu.memory_space<vmem>>)
      %add3A_162 = arith.constant 384 : i32
      %add3A_163 = arith.addi %add3A_11, %add3A_162 : i32
      %dma_start3A_164 = arith.constant 3 : i32
      %dma_start3A_165 = arith.constant 0 : i32
      %dma_start3A_166 = arith.constant 0 : i32
      %dma_start3A_167 = tpu.memref_slice %arg6[%dma_start3A_164, %dma_start3A_165, %dma_start3A_166] : memref<4x128x32xf32, #tpu.memory_space<vmem>> -> memref<1x128x32xf32, #tpu.memory_space<vmem>>
      %dma_start3A_168 = tpu.memref_squeeze %dma_start3A_167 : memref<1x128x32xf32, #tpu.memory_space<vmem>> -> memref<128x32xf32, #tpu.memory_space<vmem>>
      %dma_start3A_169 = arith.constant 0 : i32
      %dma_start3A_170 = tpu.memref_slice %arg4[%add3A_163, %dma_start3A_169] : memref<327680x32xf32, #tpu.memory_space<hbm>> -> memref<128x32xf32, #tpu.memory_space<hbm>>
      %dma_start3A_171 = arith.constant 0 : i32
      %dma_start3A_172 = tpu.memref_slice %arg4[%add3A_163, %dma_start3A_171] : memref<327680x32xf32, #tpu.memory_space<hbm>> -> memref<128x32xf32, #tpu.memory_space<hbm>>
      %dma_start3A_173 = arith.constant 0 : i32
      %dma_start3A_174 = arith.constant 0 : i32
      %dma_start3A_175 = tpu.memref_slice %arg6[%dma_start3A_164, %dma_start3A_173, %dma_start3A_174] : memref<4x128x32xf32, #tpu.memory_space<vmem>> -> memref<1x128x32xf32, #tpu.memory_space<vmem>>
      %dma_start3A_176 = tpu.memref_squeeze %dma_start3A_175 : memref<1x128x32xf32, #tpu.memory_space<vmem>> -> memref<128x32xf32, #tpu.memory_space<vmem>>
      tpu.enqueue_dma source(%dma_start3A_176 : memref<128x32xf32, #tpu.memory_space<vmem>>) target(%dma_start3A_172 : memref<128x32xf32, #tpu.memory_space<hbm>>) target_semaphore(%arg8 : memref<!tpu.dma_semaphore, #tpu.memory_space<semaphore_mem>>)
      %dma_wait3A_177 = arith.constant 0 : i32
      %dma_wait3A_178 = arith.constant 0 : i32
      %dma_wait3A_179 = arith.constant 0 : i32
      %dma_wait3A_180 = tpu.memref_slice %arg6[%dma_wait3A_177, %dma_wait3A_178, %dma_wait3A_179] : memref<4x128x32xf32, #tpu.memory_space<vmem>> -> memref<1x128x32xf32, #tpu.memory_space<vmem>>
      %dma_wait3A_181 = tpu.memref_squeeze %dma_wait3A_180 : memref<1x128x32xf32, #tpu.memory_space<vmem>> -> memref<128x32xf32, #tpu.memory_space<vmem>>
      %dma_wait3A_182 = arith.constant 0 : i32
      %dma_wait3A_183 = tpu.memref_slice %arg4[%add3A_82, %dma_wait3A_182] : memref<327680x32xf32, #tpu.memory_space<hbm>> -> memref<128x32xf32, #tpu.memory_space<hbm>>
      %dma_wait3A_184 = arith.constant 0 : i32
      %dma_wait3A_185 = tpu.memref_slice %arg4[%add3A_82, %dma_wait3A_184] : memref<327680x32xf32, #tpu.memory_space<hbm>> -> memref<128x32xf32, #tpu.memory_space<hbm>>
      %dma_wait3A_186 = arith.constant 0 : i32
      %dma_wait3A_187 = arith.constant 0 : i32
      %dma_wait3A_188 = tpu.memref_slice %arg6[%dma_wait3A_177, %dma_wait3A_186, %dma_wait3A_187] : memref<4x128x32xf32, #tpu.memory_space<vmem>> -> memref<1x128x32xf32, #tpu.memory_space<vmem>>
      %dma_wait3A_189 = tpu.memref_squeeze %dma_wait3A_188 : memref<1x128x32xf32, #tpu.memory_space<vmem>> -> memref<128x32xf32, #tpu.memory_space<vmem>>
      tpu.wait_dma2 semaphore(%arg8 : memref<!tpu.dma_semaphore, #tpu.memory_space<semaphore_mem>>) src(%dma_wait3A_189 : memref<128x32xf32, #tpu.memory_space<vmem>>) dst(%dma_wait3A_185 : memref<128x32xf32, #tpu.memory_space<hbm>>)
      %dma_wait3A_190 = arith.constant 1 : i32
      %dma_wait3A_191 = arith.constant 0 : i32
      %dma_wait3A_192 = arith.constant 0 : i32
      %dma_wait3A_193 = tpu.memref_slice %arg6[%dma_wait3A_190, %dma_wait3A_191, %dma_wait3A_192] : memref<4x128x32xf32, #tpu.memory_space<vmem>> -> memref<1x128x32xf32, #tpu.memory_space<vmem>>
      %dma_wait3A_194 = tpu.memref_squeeze %dma_wait3A_193 : memref<1x128x32xf32, #tpu.memory_space<vmem>> -> memref<128x32xf32, #tpu.memory_space<vmem>>
      %dma_wait3A_195 = arith.constant 0 : i32
      %dma_wait3A_196 = tpu.memref_slice %arg4[%add3A_109, %dma_wait3A_195] : memref<327680x32xf32, #tpu.memory_space<hbm>> -> memref<128x32xf32, #tpu.memory_space<hbm>>
      %dma_wait3A_197 = arith.constant 0 : i32
      %dma_wait3A_198 = tpu.memref_slice %arg4[%add3A_109, %dma_wait3A_197] : memref<327680x32xf32, #tpu.memory_space<hbm>> -> memref<128x32xf32, #tpu.memory_space<hbm>>
      %dma_wait3A_199 = arith.constant 0 : i32
      %dma_wait3A_200 = arith.constant 0 : i32
      %dma_wait3A_201 = tpu.memref_slice %arg6[%dma_wait3A_190, %dma_wait3A_199, %dma_wait3A_200] : memref<4x128x32xf32, #tpu.memory_space<vmem>> -> memref<1x128x32xf32, #tpu.memory_space<vmem>>
      %dma_wait3A_202 = tpu.memref_squeeze %dma_wait3A_201 : memref<1x128x32xf32, #tpu.memory_space<vmem>> -> memref<128x32xf32, #tpu.memory_space<vmem>>
      tpu.wait_dma2 semaphore(%arg8 : memref<!tpu.dma_semaphore, #tpu.memory_space<semaphore_mem>>) src(%dma_wait3A_202 : memref<128x32xf32, #tpu.memory_space<vmem>>) dst(%dma_wait3A_198 : memref<128x32xf32, #tpu.memory_space<hbm>>)
      %dma_wait3A_203 = arith.constant 2 : i32
      %dma_wait3A_204 = arith.constant 0 : i32
      %dma_wait3A_205 = arith.constant 0 : i32
      %dma_wait3A_206 = tpu.memref_slice %arg6[%dma_wait3A_203, %dma_wait3A_204, %dma_wait3A_205] : memref<4x128x32xf32, #tpu.memory_space<vmem>> -> memref<1x128x32xf32, #tpu.memory_space<vmem>>
      %dma_wait3A_207 = tpu.memref_squeeze %dma_wait3A_206 : memref<1x128x32xf32, #tpu.memory_space<vmem>> -> memref<128x32xf32, #tpu.memory_space<vmem>>
      %dma_wait3A_208 = arith.constant 0 : i32
      %dma_wait3A_209 = tpu.memref_slice %arg4[%add3A_136, %dma_wait3A_208] : memref<327680x32xf32, #tpu.memory_space<hbm>> -> memref<128x32xf32, #tpu.memory_space<hbm>>
      %dma_wait3A_210 = arith.constant 0 : i32
      %dma_wait3A_211 = tpu.memref_slice %arg4[%add3A_136, %dma_wait3A_210] : memref<327680x32xf32, #tpu.memory_space<hbm>> -> memref<128x32xf32, #tpu.memory_space<hbm>>
      %dma_wait3A_212 = arith.constant 0 : i32
      %dma_wait3A_213 = arith.constant 0 : i32
      %dma_wait3A_214 = tpu.memref_slice %arg6[%dma_wait3A_203, %dma_wait3A_212, %dma_wait3A_213] : memref<4x128x32xf32, #tpu.memory_space<vmem>> -> memref<1x128x32xf32, #tpu.memory_space<vmem>>
      %dma_wait3A_215 = tpu.memref_squeeze %dma_wait3A_214 : memref<1x128x32xf32, #tpu.memory_space<vmem>> -> memref<128x32xf32, #tpu.memory_space<vmem>>
      tpu.wait_dma2 semaphore(%arg8 : memref<!tpu.dma_semaphore, #tpu.memory_space<semaphore_mem>>) src(%dma_wait3A_215 : memref<128x32xf32, #tpu.memory_space<vmem>>) dst(%dma_wait3A_211 : memref<128x32xf32, #tpu.memory_space<hbm>>)
      %dma_wait3A_216 = arith.constant 3 : i32
      %dma_wait3A_217 = arith.constant 0 : i32
      %dma_wait3A_218 = arith.constant 0 : i32
      %dma_wait3A_219 = tpu.memref_slice %arg6[%dma_wait3A_216, %dma_wait3A_217, %dma_wait3A_218] : memref<4x128x32xf32, #tpu.memory_space<vmem>> -> memref<1x128x32xf32, #tpu.memory_space<vmem>>
      %dma_wait3A_220 = tpu.memref_squeeze %dma_wait3A_219 : memref<1x128x32xf32, #tpu.memory_space<vmem>> -> memref<128x32xf32, #tpu.memory_space<vmem>>
      %dma_wait3A_221 = arith.constant 0 : i32
      %dma_wait3A_222 = tpu.memref_slice %arg4[%add3A_163, %dma_wait3A_221] : memref<327680x32xf32, #tpu.memory_space<hbm>> -> memref<128x32xf32, #tpu.memory_space<hbm>>
      %dma_wait3A_223 = arith.constant 0 : i32
      %dma_wait3A_224 = tpu.memref_slice %arg4[%add3A_163, %dma_wait3A_223] : memref<327680x32xf32, #tpu.memory_space<hbm>> -> memref<128x32xf32, #tpu.memory_space<hbm>>
      %dma_wait3A_225 = arith.constant 0 : i32
      %dma_wait3A_226 = arith.constant 0 : i32
      %dma_wait3A_227 = tpu.memref_slice %arg6[%dma_wait3A_216, %dma_wait3A_225, %dma_wait3A_226] : memref<4x128x32xf32, #tpu.memory_space<vmem>> -> memref<1x128x32xf32, #tpu.memory_space<vmem>>
      %dma_wait3A_228 = tpu.memref_squeeze %dma_wait3A_227 : memref<1x128x32xf32, #tpu.memory_space<vmem>> -> memref<128x32xf32, #tpu.memory_space<vmem>>
      tpu.wait_dma2 semaphore(%arg8 : memref<!tpu.dma_semaphore, #tpu.memory_space<semaphore_mem>>) src(%dma_wait3A_228 : memref<128x32xf32, #tpu.memory_space<vmem>>) dst(%dma_wait3A_224 : memref<128x32xf32, #tpu.memory_space<hbm>>)
    }
    %scan3A_7 = arith.constant 20 : i32
    return
  }
}

module attributes {stable_mosaic.version = 14 : i64} {
  func.func @body(%arg0: i32, %arg1: memref<256x50x32xf32, #tpu.memory_space<vmem>>, %arg2: memref<256x20x32xf32, #tpu.memory_space<vmem>>, %arg3: memref<32x32xf32, #tpu.memory_space<vmem>>, %arg4: memref<1x32xf32, #tpu.memory_space<vmem>>, %arg5: memref<32x512xf32, #tpu.memory_space<vmem>>, %arg6: memref<1x512xf32, #tpu.memory_space<vmem>>, %arg7: memref<512x32xf32, #tpu.memory_space<vmem>>, %arg8: memref<256x32xf32, #tpu.memory_space<vmem>>) attributes {dimension_semantics = [#tpu.dimension_semantics<arbitrary>], iteration_bounds = array<i64: 64>, scalar_prefetch = 0 : i64, scratch_operands = 0 : i64, tpu.core_type = #tpu.core_type<tc>, window_params = [{transform_indices = @transform_0, window_bounds = array<i64: 256, 50, 32>}, {transform_indices = @transform_1, window_bounds = array<i64: 256, 20, 32>}, {pipeline_mode = #tpu.pipeline_mode<synchronous>, transform_indices = @transform_2, window_bounds = array<i64: 32, 32>}, {pipeline_mode = #tpu.pipeline_mode<synchronous>, transform_indices = @transform_3, window_bounds = array<i64: 1, 32>}, {pipeline_mode = #tpu.pipeline_mode<synchronous>, transform_indices = @transform_4, window_bounds = array<i64: 32, 512>}, {pipeline_mode = #tpu.pipeline_mode<synchronous>, transform_indices = @transform_5, window_bounds = array<i64: 1, 512>}, {pipeline_mode = #tpu.pipeline_mode<synchronous>, transform_indices = @transform_6, window_bounds = array<i64: 512, 32>}, {transform_indices = @transform_7, window_bounds = array<i64: 256, 32>}]} {
    %get3A = arith.constant 0 : index
    %get3A_0 = arith.constant 0 : index
    %get3A_1 = arith.constant 0 : index
    %get3A_2 = vector.load %arg1[%get3A, %get3A_0, %get3A_1] : memref<256x50x32xf32, #tpu.memory_space<vmem>>, vector<256x50x32xf32>
    %get3A_3 = arith.constant 0 : index
    %get3A_4 = arith.constant 0 : index
    %get3A_5 = arith.constant 0 : index
    %get3A_6 = vector.load %arg2[%get3A_3, %get3A_4, %get3A_5] : memref<256x20x32xf32, #tpu.memory_space<vmem>>, vector<256x20x32xf32>
    %reduce_sum3A = arith.constant dense<0.000000e+00> : vector<256x32xf32>
    %reduce_sum3A_7 = vector.multi_reduction <add>, %get3A_6, %reduce_sum3A [1] : vector<256x20x32xf32> to vector<256x32xf32>
    %div3A = arith.constant 2.000000e+01 : f32
    %div3A_8 = vector.broadcast %div3A : f32 to vector<256x32xf32>
    %div3A_9 = arith.divf %reduce_sum3A_7, %div3A_8 : vector<256x32xf32>
    %get3A_10 = arith.constant 0 : index
    %get3A_11 = arith.constant 0 : index
    %get3A_12 = vector.load %arg3[%get3A_10, %get3A_11] : memref<32x32xf32, #tpu.memory_space<vmem>>, vector<32x32xf32>
    %dot_general3A = arith.constant dense<0.000000e+00> : vector<256x32xf32>
    %dot_general3A_13 = tpu.matmul %div3A_9, %get3A_12, %dot_general3A {dimension_numbers = #tpu.dot_dimension_numbers<[1], [0], [0], [1], [0, 0, 1, 1], [], []>, transpose_lhs_hint = false} : vector<256x32xf32>, vector<32x32xf32>, vector<256x32xf32> -> vector<256x32xf32>
    %get3A_14 = arith.constant 0 : index
    %get3A_15 = arith.constant 0 : index
    %get3A_16 = vector.load %arg4[%get3A_14, %get3A_15] : memref<1x32xf32, #tpu.memory_space<vmem>>, vector<1x32xf32>
    %add3A = vector.broadcast %get3A_16 : vector<1x32xf32> to vector<256x32xf32>
    %add3A_17 = arith.addf %dot_general3A_13, %add3A : vector<256x32xf32>
    %tanh3A = math.tanh %add3A_17 : vector<256x32xf32>
    %get3A_18 = arith.constant 0 : index
    %get3A_19 = arith.constant 0 : index
    %get3A_20 = vector.load %arg5[%get3A_18, %get3A_19] : memref<32x512xf32, #tpu.memory_space<vmem>>, vector<32x512xf32>
    %dot_general3A_21 = arith.constant dense<0.000000e+00> : vector<256x512xf32>
    %dot_general3A_22 = tpu.matmul %tanh3A, %get3A_20, %dot_general3A_21 {dimension_numbers = #tpu.dot_dimension_numbers<[1], [0], [0], [1], [0, 0, 1, 1], [], []>, transpose_lhs_hint = false} : vector<256x32xf32>, vector<32x512xf32>, vector<256x512xf32> -> vector<256x512xf32>
    %get3A_23 = arith.constant 0 : index
    %get3A_24 = arith.constant 0 : index
    %get3A_25 = vector.load %arg6[%get3A_23, %get3A_24] : memref<1x512xf32, #tpu.memory_space<vmem>>, vector<1x512xf32>
    %add3A_26 = vector.broadcast %get3A_25 : vector<1x512xf32> to vector<256x512xf32>
    %add3A_27 = arith.addf %dot_general3A_22, %add3A_26 : vector<256x512xf32>
    %tanh3A_28 = math.tanh %add3A_27 : vector<256x512xf32>
    %get3A_29 = arith.constant 0 : index
    %get3A_30 = arith.constant 0 : index
    %get3A_31 = vector.load %arg7[%get3A_29, %get3A_30] : memref<512x32xf32, #tpu.memory_space<vmem>>, vector<512x32xf32>
    %dot_general3A_32 = arith.constant dense<0.000000e+00> : vector<256x32xf32>
    %dot_general3A_33 = tpu.matmul %tanh3A_28, %get3A_31, %dot_general3A_32 {dimension_numbers = #tpu.dot_dimension_numbers<[1], [0], [0], [1], [0, 0, 1, 1], [], []>, transpose_lhs_hint = false} : vector<256x512xf32>, vector<512x32xf32>, vector<256x32xf32> -> vector<256x32xf32>
    %broadcast_in_dim3A = vector.shape_cast %dot_general3A_33 : vector<256x32xf32> to vector<256x1x32xf32>
    %mul3A = vector.broadcast %broadcast_in_dim3A : vector<256x1x32xf32> to vector<256x50x32xf32>
    %mul3A_34 = arith.mulf %get3A_2, %mul3A : vector<256x50x32xf32>
    %reduce_sum3A_35 = arith.constant dense<0.000000e+00> : vector<256x50xf32>
    %reduce_sum3A_36 = vector.multi_reduction <add>, %mul3A_34, %reduce_sum3A_35 [2] : vector<256x50x32xf32> to vector<256x50xf32>
    %reduce_max3A = arith.constant dense<0xFF800000> : vector<256xf32>
    %reduce_max3A_37 = vector.multi_reduction <maximumf>, %reduce_sum3A_36, %reduce_max3A [1] : vector<256x50xf32> to vector<256xf32>
    %broadcast_in_dim3A_38 = vector.shape_cast %reduce_max3A_37 : vector<256xf32> to vector<256x1xf32>
    %sub3A = vector.broadcast %broadcast_in_dim3A_38 : vector<256x1xf32> to vector<256x50xf32>
    %sub3A_39 = arith.subf %reduce_sum3A_36, %sub3A : vector<256x50xf32>
    %exp3A = math.exp %sub3A_39 : vector<256x50xf32>
    %reduce_sum3A_40 = arith.constant dense<0.000000e+00> : vector<256xf32>
    %reduce_sum3A_41 = vector.multi_reduction <add>, %exp3A, %reduce_sum3A_40 [1] : vector<256x50xf32> to vector<256xf32>
    %broadcast_in_dim3A_42 = vector.shape_cast %reduce_sum3A_41 : vector<256xf32> to vector<256x1xf32>
    %div3A_43 = vector.broadcast %broadcast_in_dim3A_42 : vector<256x1xf32> to vector<256x50xf32>
    %div3A_44 = arith.divf %exp3A, %div3A_43 : vector<256x50xf32>
    %broadcast_in_dim3A_45 = vector.shape_cast %div3A_44 : vector<256x50xf32> to vector<256x50x1xf32>
    %mul3A_46 = vector.broadcast %broadcast_in_dim3A_45 : vector<256x50x1xf32> to vector<256x50x32xf32>
    %mul3A_47 = arith.mulf %mul3A_46, %get3A_2 : vector<256x50x32xf32>
    %reduce_sum3A_48 = arith.constant dense<0.000000e+00> : vector<256x32xf32>
    %reduce_sum3A_49 = vector.multi_reduction <add>, %mul3A_47, %reduce_sum3A_48 [1] : vector<256x50x32xf32> to vector<256x32xf32>
    %add3A_50 = arith.addf %tanh3A, %reduce_sum3A_49 : vector<256x32xf32>
    %swap3A = arith.constant 0 : index
    %swap3A_51 = arith.constant 0 : index
    %swap3A_52 = vector.load %arg8[%swap3A, %swap3A_51] : memref<256x32xf32, #tpu.memory_space<vmem>>, vector<256x32xf32>
    tpu.vector_store %arg8[%swap3A, %swap3A_51], %add3A_50 {strides = array<i32>} : memref<256x32xf32, #tpu.memory_space<vmem>>, vector<256x32xf32>,
    return
  }
  func.func @transform_0(%arg0: i32) -> (i32, i32, i32) {
    %c0_i32 = arith.constant 0 : i32
    %c0_i32_0 = arith.constant 0 : i32
    %c0_i32_1 = arith.constant 0 : i32
    return %arg0, %c0_i32, %c0_i32_0 : i32, i32, i32
  }
  func.func @transform_1(%arg0: i32) -> (i32, i32, i32) {
    %c0_i32 = arith.constant 0 : i32
    %c0_i32_0 = arith.constant 0 : i32
    %c0_i32_1 = arith.constant 0 : i32
    return %arg0, %c0_i32, %c0_i32_0 : i32, i32, i32
  }
  func.func @transform_2(%arg0: i32) -> (i32, i32) {
    %c0_i32 = arith.constant 0 : i32
    %c0_i32_0 = arith.constant 0 : i32
    %c0_i32_1 = arith.constant 0 : i32
    return %c0_i32, %c0_i32_0 : i32, i32
  }
  func.func @transform_3(%arg0: i32) -> (i32, i32) {
    %c0_i32 = arith.constant 0 : i32
    %c0_i32_0 = arith.constant 0 : i32
    %c0_i32_1 = arith.constant 0 : i32
    return %c0_i32, %c0_i32_0 : i32, i32
  }
  func.func @transform_4(%arg0: i32) -> (i32, i32) {
    %c0_i32 = arith.constant 0 : i32
    %c0_i32_0 = arith.constant 0 : i32
    %c0_i32_1 = arith.constant 0 : i32
    return %c0_i32, %c0_i32_0 : i32, i32
  }
  func.func @transform_5(%arg0: i32) -> (i32, i32) {
    %c0_i32 = arith.constant 0 : i32
    %c0_i32_0 = arith.constant 0 : i32
    %c0_i32_1 = arith.constant 0 : i32
    return %c0_i32, %c0_i32_0 : i32, i32
  }
  func.func @transform_6(%arg0: i32) -> (i32, i32) {
    %c0_i32 = arith.constant 0 : i32
    %c0_i32_0 = arith.constant 0 : i32
    %c0_i32_1 = arith.constant 0 : i32
    return %c0_i32, %c0_i32_0 : i32, i32
  }
  func.func @transform_7(%arg0: i32) -> (i32, i32) {
    %c0_i32 = arith.constant 0 : i32
    %c0_i32_0 = arith.constant 0 : i32
    return %arg0, %c0_i32 : i32, i32
  }
}

</mosaic_0001>

<sc_bundles>
// kernel: kernel.12.cloned.1.call-start
scs
__scs_entry_jumppad:
0x0: {  	(pc) =	sbr.rel $0x88, $3  }
0x1: {  	(tag) =	ssettag $0x0;
	lr =	simm.s32 $0x1  }
0x2: {  	[smem:$0x3F97] =	sst lr;
	_ =	strace $0xD0000000  }
0x3: {  	_ = 	snop  }
0x4: {  	_ = 	snop  }
0x5: {  	_ = 	snop  }
0x6: {  	_ = 	snop  }
0x7: {  	_ = 	snop  }
__scs_overlays_trampoline_lowered:
0x8: {  	[smem:$0x3FA6] =	sst s0  }
0x9: {  	[smem:$0x3FA7] =	sst s1  }
0xa: {  	[smem:$0x3FA8] =	sst s2  }
0xb: {  	[smem:$0x3FA9] =	sst s3  }
0xc: {  	[smem:$0x3FAA] =	sst s4  }
0xd: {  	[smem:$0x3FAB] =	sst s5  }
0xe: {  	[smem:$0x3FAC] =	sst s6  }
0xf: {  	[smem:$0x3FAD] =	sst s7  }
0x10: {  	[smem:$0x3FAE] =	sst s8  }
0x11: {  	[smem:$0x3FAF] =	sst s9;
	s0 =	simm.s32 @!p0 $0x0  }
0x12: {  	s1 =	sld [smem:$0x3F95];
	s0 =	simm.s32 @p0 $0x1  }
0x13: {  	[smem:$0x3FB0] =	sst s0;
	s0 =	simm.s32 @!p1 $0x0  }
0x14: {  	s2 =	sld [smem:$0x3F94];
	s0 =	simm.s32 @p1 $0x1  }
0x15: {  	[smem:$0x3FB1] =	sst s0;
	s0 =	simm.s32 @!p2 $0x0  }
0x16: {  	s3 =	sld [smem:$0x3FDB];
	s0 =	simm.s32 @p2 $0x1  }
0x17: {  	s4 =	simm.s32 $0x1BF5;
	[smem:$0x3FB3] =	sst s0  }
0x18: {  	s0 =	sld [smem:$0x3F96];
	_ =	swait.ge [sflag:s4], $0x0  }
0x19: {  	s7 =	sld [smem:$0x3F97]  }
0x1a: {  	s8 =	sadd.s32 $0xFFFFE003, lr  }
0x1b: {  	s9 =	sadd.s32 $0xFFFFFEF7, lr;
	s5 =	simm.s32 $0xFFFFFFFF;
	p2 =	slt.u32 s8, $0xFFFFF086  }
0x1c: {  	p1 =	slt.u32 s9, $0xF7A;
	s5 =	simm.s32 @!p2 $0x0  }
0x1d: {  	s5 =	simm.s32 @p1 $0x1;
	p0 =	seq.s32 s7, s2  }
0x1e: {  	s7 =	smul.u32 @!p0 $0xF7A, s2;
	p2 =	seq.s32 @!p0 s5, $0x0  }
0x1f: {  	s9 =	smul.u32 $0xF7A, s1;
	s8 =	simm.s32 @!p0 $0x1BF5;
	p2 =	por !p2, p0  }
0x20: {  	[sflag:s8] =	ssyncset.s32 @!p0 $0xFFFFF086;
	s6 =	sadd.s32 @!p0 s3, s7;
	s7 =	simm.s32 @!p0 $0x108  }
0x21: {  	s3 =	sadd.s32 s3, s9;
	s6 =	sadd.s32 @!p0 $0x88, s6;
	s7 =	simm.s32 @p2 $0x1082  }
0x22: {  	[simem:s7], [sflag:s8] =	dma.local @!p0 [hbm:s6], $0xF7A  }
0x23: {  	s9 =	sor.u32 $0xD0000000, s2;
	s6 =	simm.s32 $0x108;
	_ =	swait.ge @!p0 [sflag:s8], $0x0  }
0x24: {  	s3 =	sadd.s32 $0x88, s3;
	s6 =	simm.s32 @!p1 $0x1082;
	[sflag:s4] =	ssyncset.s32 $0xFFFFF086  }
0x25: {  	[simem:s6], [sflag:s4] =	dma.local [hbm:s3], $0xF7A  }
0x26: {  	[smem:$0x3F97] =	sst s1;
	(tag) =	ssettag s2;
	_ =	strace s9  }
0x27: {  	s1 =	sld [smem:$0x3FA7]  }
0x28: {  	s2 =	sld [smem:$0x3FA8]  }
0x29: {  	s4 =	sld [smem:$0x3FAA]  }
0x2a: {  	p0 =	seq.s32 s5, $0x0;
	s5 =	sld [smem:$0x3FAB]  }
0x2b: {  	s6 =	sld [smem:$0x3FAC]  }
0x2c: {  	s7 =	sld [smem:$0x3FAD]  }
0x2d: {  	s3 =	simm.s32 $0x108;
	s8 =	sld [smem:$0x3FAE]  }
0x2e: {  	s3 =	simm.s32 @!p0 $0x1082;
	s9 =	sld [smem:$0x3FAF]  }
0x2f: {  	lr =	sadd.s32 s0, s3;
	s0 =	sld [smem:$0x3FA6]  }
0x30: {  	s3 =	sld [smem:$0x3FA9]  }
0x31: {  	[smem:$0x3FB2] =	sst s10  }
0x32: {  	s10 =	sld [smem:$0x3FB0];
	_ =	sdelay $0x3  }
0x33: {  	p0 =	seq.s32 s10, $0x1;
	s10 =	sld [smem:$0x3FB2];
	_ =	sdelay $0x3  }
0x34: {  	[smem:$0x3FB2] =	sst s10  }
0x35: {  	s10 =	sld [smem:$0x3FB1];
	_ =	sdelay $0x3  }
0x36: {  	p1 =	seq.s32 s10, $0x1;
	s10 =	sld [smem:$0x3FB2];
	_ =	sdelay $0x3  }
0x37: {  	[smem:$0x3FB2] =	sst s10  }
0x38: {  	s10 =	sld [smem:$0x3FB3]  }
0x39: {  	_ = 	snop;
	(pc) =	sbr.ind lr, $3  }
0x3a: {  	_ = 	snop  }
0x3b: {  	_ = 	snop  }
0x3c: {  	p2 =	seq.s32 s10, $0x1;
	s10 =	sld [smem:$0x3FB2]  }
0x3d: {  	_ =	shalt  }
0x3e: {  	_ =	shalt  }
0x3f: {  	_ =	shalt  }
0x40: {  	_ =	shalt  }
0x41: {  	_ =	shalt  }
0x42: {  	_ =	shalt  }
0x43: {  	_ =	shalt  }
0x44: {  	_ =	shalt  }
0x45: {  	_ =	shalt  }
0x46: {  	_ =	shalt  }
0x47: {  	_ =	shalt  }
0x48: {  	_ =	shalt  }
0x49: {  	_ =	shalt  }
0x4a: {  	_ =	shalt  }
0x4b: {  	_ =	shalt  }
0x4c: {  	_ =	shalt  }
0x4d: {  	_ =	shalt  }
0x4e: {  	_ =	shalt  }
0x4f: {  	_ =	shalt  }
0x50: {  	_ =	shalt  }
0x51: {  	_ =	shalt  }
0x52: {  	_ =	shalt  }
0x53: {  	_ =	shalt  }
0x54: {  	_ =	shalt  }
0x55: {  	_ =	shalt  }
0x56: {  	_ =	shalt  }
0x57: {  	_ =	shalt  }
0x58: {  	_ =	shalt  }
0x59: {  	_ =	shalt  }
0x5a: {  	_ =	shalt  }
0x5b: {  	_ =	shalt  }
0x5c: {  	_ =	shalt  }
0x5d: {  	_ =	shalt  }
0x5e: {  	_ =	shalt  }
0x5f: {  	_ =	shalt  }
0x60: {  	_ =	shalt  }
0x61: {  	_ =	shalt  }
0x62: {  	_ =	shalt  }
0x63: {  	_ =	shalt  }
0x64: {  	_ =	shalt  }
0x65: {  	_ =	shalt  }
0x66: {  	_ =	shalt  }
0x67: {  	_ =	shalt  }
0x68: {  	_ =	shalt  }
0x69: {  	_ =	shalt  }
0x6a: {  	_ =	shalt  }
0x6b: {  	_ =	shalt  }
0x6c: {  	_ =	shalt  }
0x6d: {  	_ =	shalt  }
0x6e: {  	_ =	shalt  }
0x6f: {  	_ =	shalt  }
0x70: {  	_ =	shalt  }
0x71: {  	_ =	shalt  }
0x72: {  	_ =	shalt  }
0x73: {  	_ =	shalt  }
0x74: {  	_ =	shalt  }
0x75: {  	_ =	shalt  }
0x76: {  	_ =	shalt  }
0x77: {  	_ =	shalt  }
0x78: {  	_ =	shalt  }
0x79: {  	_ =	shalt  }
0x7a: {  	_ =	shalt  }
0x7b: {  	_ =	shalt  }
0x7c: {  	_ =	shalt  }
0x7d: {  	_ =	shalt  }
0x7e: {  	_ =	shalt  }
0x7f: {  	_ =	shalt  }
0x80: {  	_ =	shalt  }
0x81: {  	_ =	shalt  }
0x82: {  	_ =	shalt  }
0x83: {  	_ =	shalt  }
0x84: {  	_ =	shalt  }
0x85: {  	_ =	shalt  }
0x86: {  	_ =	shalt  }
0x87: {  	_ =	shalt  }
.Lfunc_end0:
.L_simem_size_0:
called_computation.2_lowered:
.L_overlay_start_0:
0x88: {  	s2 =	sld [smem:$0x3FD9]  }
0x89: {  	s3 =	sld [smem:$0x3FFE];
	_ =	sdelay $0x1  }
0x8a: {  	s1 =	srdreg.scid  }
0x8b: {  	s0 =	sand.u32 $0x1, s1  }
0x8c: {  	s15 =	sshll.u32 s0, $0xA;
	s2 =	sadd.s32 s3, s2  }
0x8d: {  	s2 =	sadd.s32 s2, s15  }
0x8e: {  	[smem:$0x3FBE] =	sst s2  }
0x8f: {  	_ = 	snop  }
0x90: {  	s16 =	sld [smem:$0x3FD0];
	_ =	sdelay $0x2  }
0x91: {  	s4 =	simm.s32 $0xC;
	s5 =	simm.s32 $0x10;
	s2 =	sld [smem:$0x3FC8]  }
0x92: {  	[smem:s5], [sflag:s4] =	dma.local [hbm:s16], $0x1  }
0x93: {  	_ =	swait.eq [sflag:s4], $0x1  }
0x94: {  	[sflag:s4] =	ssyncset.done $0x0  }
0x95: {  	[sflag:s4] =	ssyncadd.s32 $0xFFFFFFFF  }
0x96: {  	s17 =	sld [smem:$0x11];
	(tm) =	ssettm $0x1  }
0x97: {  	s18 =	sld [smem:$0x3FFB];
	_ =	sdelay $0x3  }
0x98: {  	_ =	strace s18  }
0x99: {  	s3 =	sld [smem:$0x3FFC];
	_ =	sdelay $0x3  }
0x9a: {  	_ =	strace s3  }
0x9b: {  	s3 =	sld [smem:$0x3FFD];
	_ =	sdelay $0x3  }
0x9c: {  	_ =	strace s3  }
0x9d: {  	_ =	strace $0x8FFFFFFF  }
0x9e: {  	s19 =	sld [smem:$0x3FDB];
	_ =	sdelay $0x1  }
0x9f: {  	s20 =	simm.s32 $_scs_section_size  }
0xa0: {  	s6 =	simm.s32 $_size__tile_overlayer_lowered;
	s7 =	simm.s32 $_tile_overlayer_lowered  }
0xa1: {  	s8 =	simm.s32 $0x1BFF;
	s21 =	sshll.u32 s7, $0x1;
	s5 =	sadd.s32 s20, s19  }
0xa2: {  	s22 =	simm.s32 $0x0;
	s6 =	sshll.u32 s6, $0x1;
	s7 =	sadd.s32 s21, s5  }
0xa3: {  	[timem:s22], [sflag:s8] =	dma.local [hbm:s7], s6  }
0xa4: {  	_ =	swait.ge [sflag:s8], s6  }
0xa5: {  	s6 =	ssub.s32 $0x0, s6;
	[sflag:s8] =	ssyncset.done $0x0  }
0xa6: {  	[sflag:s8] =	ssyncadd.s32 s6;
	_ =	sdelay $0x1  }
0xa7: {  	s23 =	simm.s32 $0x1B8B  }
0xa8: {  	_ =	swait.ge [sflag:s23], $0x1  }
0xa9: {  	[sflag:s23] =	ssyncset.done $0x0  }
0xaa: {  	[sflag:s23] =	ssyncadd.s32 $0xFFFFFFFF  }
0xab: {  	s6 =	sld [smem:$0x0]  }
0xac: {  	s7 =	sand.u32 $0xFFFFFFFE, s1  }
0xad: {  	p0 =	sne.s32 s1, s7  }
0xae: {  	s7 =	sshll.u32 @p0 s7, $0xE  }
0xaf: {  	s7 =	sadd.s32 @p0 $0x11B8D, s7;
	s8 =	sshll.u32 @p0 s6, $0x11  }
0xb0: {  	s7 =	sor.u32 @p0 s8, s7  }
0xb1: {  	[sflag:s7] =	ssyncadd.remote.s32 @p0 $0x1;
	_ =	sdelay $0x1  }
0xb2: {  	s7 =	simm.s32 @p0 $0x1B8D  }
0xb3: {  	_ =	swait.eq @p0 [sflag:s7], $0x1  }
0xb4: {  	[sflag:s7] =	ssyncadd.s32 @p0 $0xFFFFFFFF  }
0xb5: {  	s8 =	sshll.u32 @!p0 s1, $0xE  }
0xb6: {  	s8 =	sor.u32 @!p0 $0x4000, s8;
	s7 =	simm.s32 @!p0 $0x1B8D  }
0xb7: {  	s6 =	sshll.u32 @!p0 s6, $0x11;
	s8 =	sadd.s32 @!p0 $0x11B8D, s8;
	_ =	swait.eq @!p0 [sflag:s7], $0x1  }
0xb8: {  	s6 =	sor.u32 @!p0 s6, s8;
	[sflag:s7] =	ssyncadd.s32 @!p0 $0xFFFFFFFF  }
0xb9: {  	s25 =	simm.s32 $0x1B8E;
	s24 =	sld [smem:$0x3FFE];
	[sflag:s6] =	ssyncadd.remote.s32 @!p0 $0x1  }
0xba: {  	s26 =	simm.s32 $execute0_lowered;
	[smem:$0x3FD2] =	sst s25  }
0xbb: {  	s7 =	sshll.u32 s26, $0x1;
	_ =	strace $0x80000049;
	[dreg:$0x1] =	wrdreg $0xFFFFFFFF  }
0xbc: {  	s28 =	simm.s32 $_size_execute0_lowered;
	s5 =	sadd.s32 s5, s7;
	[dreg:$0x0] =	wrdreg $0x0  }
0xbd: {  	s7 =	sshll.u32 s28, $0x1;
	[dreg:$0x2] =	wrdreg s5  }
0xbe: {  	[dreg:$0x3] =	wrdreg s7  }
0xbf: {  	[dreg:$0x4] =	wrdreg $0xC0  }
0xc0: {  	_ =	task [dreg:s22], $0x5FFFF  }
0xc1: {  	[dreg:$0x1] =	wrdreg $0xFFFFFFFF  }
0xc2: {  	[dreg:$0x0] =	wrdreg $0x60  }
0xc3: {  	[dreg:$0x2] =	wrdreg s24  }
0xc4: {  	[dreg:$0x3] =	wrdreg s2  }
0xc5: {  	[dreg:$0x4] =	wrdreg s17  }
0xc6: {  	[dreg:$0x5] =	wrdreg $0xB  }
0xc7: {  	_ =	task.clear_ibuf [dreg:s22], $0x6FFFF;
	_ =	strace $0x90000049  }
0xc8: {  	s29 =	simm.s32 $0xB;
	_ =	strace $0x8000004B  }
0xc9: {  	_ =	swait.ge [sflag:s29], $0x1  }
0xca: {  	[sflag:s29] =	ssyncadd.s32 $0xFFFFFFFF  }
0xcb: {  	_ =	strace $0x9000004B  }
0xcc: {  	_ =	sfence  }
0xcd: {  	s30 =	sld [smem:$0x0];
	_ =	sdelay $0x2  }
0xce: {  	s31 =	sshll.u32 s1, $0xD;
	s1 =	sshrl.u32 s1, $0x2  }
0xcf: {  	s4 =	sand.u32 $0x4000, s31;
	s1 =	sadd.s32 s1, s30  }
0xd0: {  	s0 =	sor.u32 s4, s0;
	s1 =	sshll.u32 s1, $0x11  }
0xd1: {  	s0 =	sor.u32 s1, s0  }
0xd2: {  	s0 =	sadd.s32 $0x8F2B, s0  }
0xd3: {  	[sflag:s0] =	ssyncadd.remote.s32 $0x1  }
0xd4: {  	_ =	sfence.sel $0xFFFF  }
0xd5: {  	[dreg:$0x0] =	wrdreg $0xFFFFFFFF;
	(pc) =	sbr.abs _section_cstart, $3  }
0xd6: {  	[dreg:$0x1] =	wrdreg $0xFFFFFFFF  }
0xd7: {  	_ =	task.clear_ibuf [dreg:s22], $0x2FFFF;
	_ =	strace $0x9FFFFFFF  }
0xd8: {  	(tm) =	ssettm $0x7FFFFFFF  }
0xd9: {  	_ =	shalt  }
tec
execute0_lowered:
.L_overlay_start_1:
0x0: {  	(tag) =	ssettag $0x1  }
0x1: {  	s5 =	rddreg [dreg:$0x0];
	s1 =	srdreg.scid  }
0x2: {  	s13 =	rddreg [dreg:$0x1];
	s0 =	stileid.u32;
	s22 =	sand.u32 $0x1, s1  }
0x3: {  	s20 =	rddreg [dreg:$0x2];
	s3 =	sshll.u32 s0, $0xA;
	s4 =	sshll.u32 s22, $0x9  }
0x4: {  	s2 =	simm.s32 $0x0;
	s1 =	rddreg [dreg:$0x3];
	s17 =	sor.u32 s4, s3  }
0x5: {  	[smem:$0x7FF] =	sst s2;
	s3 =	sshrl.u32 s17, $0x3  }
0x6: {  	_ =	strace $0x8000004A;
	s4 =	simm.s32 $0x3;
	s3 =	sadd.s32 s13, s3  }
0x7: {  	[tilespmem:s2], [sflag:$0x3] =	stream.linear.gather [hbm4b:s3+s2], $0x80, $0x38;
	[tilespmem:$0x4200] =	vst v63  }
0x8: {  	s6 =	simm.s32 $0x80;
	_ =	swait.ge [sflag:s4], $0x80  }
0x9: {  	s7 =	simm.s32 $0x200;
	s18 =	sor.u32 $0x80, s17;
	[sflag:s4] =	ssyncset.done $0x0  }
0xa: {  	s5 =	sadd.s32 $0x141C00, s5;
	s8 =	sshrl.u32 s18, $0x3;
	[sflag:s4] =	ssyncadd.s32 $0xFFFFFF80  }
0xb: {  	[tilespmem:s7], [sflag:$0x1] =	stream.indirect.gather [hbm4b:s5+s6], $0x20, s2, s6, $0xb8;
	[tilespmem:$0x4200] =	vst v63  }
0xc: {  	s8 =	sadd.s32 s13, s8  }
0xd: {  	[tilespmem:s6], [sflag:$0x3] =	stream.linear.gather [hbm4b:s8+s2], $0x80, $0x38;
	[tilespmem:$0x4200] =	vst v63  }
0xe: {  	_ =	swait.ge [sflag:s4], $0x80  }
0xf: {  	s19 =	sor.u32 $0x100, s17;
	[sflag:s4] =	ssyncset.done $0x0  }
0x10: {  	s9 =	simm.s32 $0x1200;
	s10 =	sshrl.u32 s19, $0x3;
	[sflag:s4] =	ssyncadd.s32 $0xFFFFFF80  }
0x11: {  	[tilespmem:s9], [sflag:$0x1] =	stream.indirect.gather [hbm4b:s5+s6], $0x20, s6, s6, $0xb8;
	[tilespmem:$0x4200] =	vst v63  }
0x12: {  	s11 =	simm.s32 $0x100;
	s10 =	sadd.s32 s13, s10  }
0x13: {  	[tilespmem:s11], [sflag:$0x3] =	stream.linear.gather [hbm4b:s10+s2], $0x80, $0x38;
	[tilespmem:$0x4200] =	vst v63  }
0x14: {  	_ =	swait.ge [sflag:s4], $0x80  }
0x15: {  	s21 =	sor.u32 $0x180, s17;
	[sflag:s4] =	ssyncset.done $0x0  }
0x16: {  	s12 =	simm.s32 $0x2200;
	s14 =	sshrl.u32 s21, $0x3;
	[sflag:s4] =	ssyncadd.s32 $0xFFFFFF80  }
0x17: {  	[tilespmem:s12], [sflag:$0x1] =	stream.indirect.gather [hbm4b:s5+s6], $0x20, s11, s6, $0xb8;
	[tilespmem:$0x4200] =	vst v63  }
0x18: {  	s13 =	sadd.s32 s13, s14;
	s14 =	simm.s32 $0x180  }
0x19: {  	[tilespmem:s14], [sflag:$0x3] =	stream.linear.gather [hbm4b:s13+s2], $0x80, $0x38;
	[tilespmem:$0x4200] =	vst v63  }
0x1a: {  	_ =	swait.ge [sflag:s4], $0x80  }
0x1b: {  	[sflag:s4] =	ssyncset.done $0x0  }
0x1c: {  	s15 =	simm.s32 $0x3200;
	s16 =	simm.s32 $0x1;
	[sflag:s4] =	ssyncadd.s32 $0xFFFFFF80  }
0x1d: {  	[tilespmem:s15], [sflag:$0x1] =	stream.indirect.gather [hbm4b:s5+s6], $0x20, s14, s6, $0xb8;
	[tilespmem:$0x4200] =	vst v63  }
0x1e: {  	_ =	swait.ge [sflag:s16], $0x1000  }
0x1f: {  	s17 =	sshll.u32 s17, $0x2;
	[sflag:s16] =	ssyncset.done $0x0  }
0x20: {  	s17 =	sadd.s32 s20, s17;
	[sflag:s16] =	ssyncadd.s32 $0xFFFFF000  }
0x21: {  	[hbm4b:s17+s2] =	stream.linear.scatter [tilespmem:s7], [sflag:$0x2], $0x1000, $0x38;
	[tilespmem:$0x4200] =	vst v63  }
0x22: {  	_ =	swait.ge [sflag:s16], $0x1000  }
0x23: {  	s18 =	sshll.u32 s18, $0x2;
	[sflag:s16] =	ssyncset.done $0x0  }
0x24: {  	s18 =	sadd.s32 s20, s18;
	[sflag:s16] =	ssyncadd.s32 $0xFFFFF000  }
0x25: {  	[hbm4b:s18+s2] =	stream.linear.scatter [tilespmem:s9], [sflag:$0x2], $0x1000, $0x38;
	[tilespmem:$0x4200] =	vst v63  }
0x26: {  	_ =	swait.ge [sflag:s16], $0x1000  }
0x27: {  	s19 =	sshll.u32 s19, $0x2;
	[sflag:s16] =	ssyncset.done $0x0  }
0x28: {  	s19 =	sadd.s32 s20, s19;
	[sflag:s16] =	ssyncadd.s32 $0xFFFFF000  }
0x29: {  	[hbm4b:s19+s2] =	stream.linear.scatter [tilespmem:s12], [sflag:$0x2], $0x1000, $0x38;
	[tilespmem:$0x4200] =	vst v63  }
0x2a: {  	_ =	swait.ge [sflag:s16], $0x1000  }
0x2b: {  	s21 =	sshll.u32 s21, $0x2;
	[sflag:s16] =	ssyncset.done $0x0  }
0x2c: {  	s21 =	sadd.s32 s20, s21;
	s20 =	simm.s32 $0x2;
	[sflag:s16] =	ssyncadd.s32 $0xFFFFF000  }
0x2d: {  	[hbm4b:s21+s2] =	stream.linear.scatter [tilespmem:s15], [sflag:$0x2], $0x1000, $0x38;
	[tilespmem:$0x4200] =	vst v63  }
0x2e: {  	_ =	swait.ge [sflag:s20], $0x1000  }
0x2f: {  	s22 =	ssub.s32 $0x2, s22;
	[sflag:s20] =	ssyncset.done $0x0  }
0x30: {  	s23 =	sshrl.u32 s22, $0x1;
	[sflag:s20] =	ssyncadd.s32 $0xFFFFF000  }
0x31: {  	s22 =	ssub.s32 s22, s23;
	_ =	swait.ge [sflag:s20], $0x1000  }
0x32: {  	s22 =	smax.u32 s22, $0x1;
	[sflag:s20] =	ssyncset.done $0x0  }
0x33: {  	p0 =	sne.s32 s22, $0x1;
	[sflag:s20] =	ssyncadd.s32 $0xFFFFF000  }
.Ltmp0:
0x34: {  	_ =	swait.ge [sflag:s20], $0x1000;
	(pc) =	sbr.rel @!p0 .LBB2_2-.Ltmp0, $4  }
0x35: {  	[sflag:s20] =	ssyncset.done $0x0  }
0x36: {  	[sflag:s20] =	ssyncadd.s32 $0xFFFFF000  }
0x37: {  	_ =	swait.ge [sflag:s20], $0x1000  }
0x38: {  	s22 =	sadd.s32 $0xFFFFFFFF, s22;
	[sflag:s20] =	ssyncset.done $0x0  }
.LBB2_1:
0x39: {  	p0 =	sne.s32 s22, $0x1;
	s22 =	sadd.s32 $0xFFFFFFFF, s22;
	[sflag:s20] =	ssyncadd.s32 $0xFFFFF000  }
0x3a: {  	[tilespmem:s2], [sflag:$0x3] =	stream.linear.gather [hbm4b:s3+s2], $0x80, $0x38;
	[tilespmem:$0x4200] =	vst v63  }
0x3b: {  	_ =	swait.ge [sflag:s4], $0x80  }
0x3c: {  	[sflag:s4] =	ssyncset.done $0x0  }
0x3d: {  	[sflag:s4] =	ssyncadd.s32 $0xFFFFFF80  }
0x3e: {  	[tilespmem:s7], [sflag:$0x1] =	stream.indirect.gather [hbm4b:s5+s6], $0x20, s2, s6, $0xb8;
	[tilespmem:$0x4200] =	vst v63  }
0x3f: {  	_ = 	snop  }
0x40: {  	[tilespmem:s6], [sflag:$0x3] =	stream.linear.gather [hbm4b:s8+s2], $0x80, $0x38;
	[tilespmem:$0x4200] =	vst v63  }
0x41: {  	_ =	swait.ge [sflag:s4], $0x80  }
0x42: {  	[sflag:s4] =	ssyncset.done $0x0  }
0x43: {  	[sflag:s4] =	ssyncadd.s32 $0xFFFFFF80  }
0x44: {  	[tilespmem:s9], [sflag:$0x1] =	stream.indirect.gather [hbm4b:s5+s6], $0x20, s6, s6, $0xb8;
	[tilespmem:$0x4200] =	vst v63  }
0x45: {  	_ = 	snop  }
0x46: {  	[tilespmem:s11], [sflag:$0x3] =	stream.linear.gather [hbm4b:s10+s2], $0x80, $0x38;
	[tilespmem:$0x4200] =	vst v63  }
0x47: {  	_ =	swait.ge [sflag:s4], $0x80  }
0x48: {  	[sflag:s4] =	ssyncset.done $0x0  }
0x49: {  	[sflag:s4] =	ssyncadd.s32 $0xFFFFFF80  }
0x4a: {  	[tilespmem:s12], [sflag:$0x1] =	stream.indirect.gather [hbm4b:s5+s6], $0x20, s11, s6, $0xb8;
	[tilespmem:$0x4200] =	vst v63  }
0x4b: {  	_ = 	snop  }
0x4c: {  	[tilespmem:s14], [sflag:$0x3] =	stream.linear.gather [hbm4b:s13+s2], $0x80, $0x38;
	[tilespmem:$0x4200] =	vst v63  }
0x4d: {  	_ =	swait.ge [sflag:s4], $0x80  }
0x4e: {  	[sflag:s4] =	ssyncset.done $0x0  }
0x4f: {  	[sflag:s4] =	ssyncadd.s32 $0xFFFFFF80  }
0x50: {  	[tilespmem:s15], [sflag:$0x1] =	stream.indirect.gather [hbm4b:s5+s6], $0x20, s14, s6, $0xb8;
	[tilespmem:$0x4200] =	vst v63  }
0x51: {  	_ =	swait.ge [sflag:s16], $0x1000  }
0x52: {  	[sflag:s16] =	ssyncset.done $0x0  }
0x53: {  	[sflag:s16] =	ssyncadd.s32 $0xFFFFF000  }
0x54: {  	[hbm4b:s17+s2] =	stream.linear.scatter [tilespmem:s7], [sflag:$0x2], $0x1000, $0x38;
	[tilespmem:$0x4200] =	vst v63  }
0x55: {  	_ =	swait.ge [sflag:s16], $0x1000  }
0x56: {  	[sflag:s16] =	ssyncset.done $0x0  }
0x57: {  	[sflag:s16] =	ssyncadd.s32 $0xFFFFF000  }
0x58: {  	[hbm4b:s18+s2] =	stream.linear.scatter [tilespmem:s9], [sflag:$0x2], $0x1000, $0x38;
	[tilespmem:$0x4200] =	vst v63  }
0x59: {  	_ =	swait.ge [sflag:s16], $0x1000  }
0x5a: {  	[sflag:s16] =	ssyncset.done $0x0  }
0x5b: {  	[sflag:s16] =	ssyncadd.s32 $0xFFFFF000  }
0x5c: {  	[hbm4b:s19+s2] =	stream.linear.scatter [tilespmem:s12], [sflag:$0x2], $0x1000, $0x38;
	[tilespmem:$0x4200] =	vst v63  }
0x5d: {  	_ =	swait.ge [sflag:s16], $0x1000  }
0x5e: {  	[sflag:s16] =	ssyncset.done $0x0  }
0x5f: {  	[sflag:s16] =	ssyncadd.s32 $0xFFFFF000  }
0x60: {  	[hbm4b:s21+s2] =	stream.linear.scatter [tilespmem:s15], [sflag:$0x2], $0x1000, $0x38;
	[tilespmem:$0x4200] =	vst v63  }
0x61: {  	_ =	swait.ge [sflag:s20], $0x1000  }
0x62: {  	[sflag:s20] =	ssyncset.done $0x0  }
0x63: {  	[sflag:s20] =	ssyncadd.s32 $0xFFFFF000  }
0x64: {  	_ =	swait.ge [sflag:s20], $0x1000  }
0x65: {  	[sflag:s20] =	ssyncset.done $0x0  }
0x66: {  	[sflag:s20] =	ssyncadd.s32 $0xFFFFF000  }
.Ltmp1:
0x67: {  	_ =	swait.ge [sflag:s20], $0x1000;
	(pc) =	sbr.rel @p0 .LBB2_1-.Ltmp1, $4  }
0x68: {  	[sflag:s20] =	ssyncset.done $0x0  }
0x69: {  	[sflag:s20] =	ssyncadd.s32 $0xFFFFF000  }
0x6a: {  	_ =	swait.ge [sflag:s20], $0x1000  }
0x6b: {  	[sflag:s20] =	ssyncset.done $0x0  }
.LBB2_2:
0x6c: {  	[sflag:s20] =	ssyncadd.s32 $0xFFFFF000  }
0x6d: {  	_ =	sfence.sel $0x180000  }
0x6e: {  	[bflag:$0x0] =	sbarrier.arrive $0xFFFF  }
0x6f: {  	p0 =	sne.s32 s0, $0x0;
	_ =	strace $0x9000004A  }
0x70: {  	s0 =	sadd.s32 @!p0 $0x100000, s1;
	[bflag:$0x2] =	sbarrier.arrive $0xFFFF  }
0x71: {  	[sflag:s0] =	ssyncadd.tile.s32 @!p0 $0x1;
	_ =	shalt  }
.Lfunc_end2:
_tile_overlayer_lowered:
.L_overlay_start_2:
0x72: {  	(tag) =	ssettag $0x2  }
0x73: {  	s0 =	rddreg [dreg:$0x0];
	s2 =	stileid.u32  }
0x74: {  	s1 =	rddreg [dreg:$0x1];
	p0 =	sne.s32 s2, $0x0  }
0x75: {  	s3 =	rddreg [dreg:$0x2];
	[bflag:$0x3] =	sbarrier.arrive $0xFFFF;
	s2 =	simm.s32 @!p0 $0x1C03  }
0x76: {  	[timem:s3], [sflag:s2] =	dma.local @!p0 [hbm:s0], s1  }
0x77: {  	s0 =	simm.s32 @!p0 $0x3  }
0x78: {  	_ =	swait.ge @!p0 [sflag:s0], s1  }
0x79: {  	s1 =	ssub.s32 @!p0 $0x0, s1;
	[sflag:s0] =	ssyncset.done @!p0 $0x0  }
0x7a: {  	[sflag:s0] =	ssyncadd.s32 @!p0 s1  }
0x7b: {  	[bflag:$0x3] =	sbarrier.arrive $0xFFFF  }
0x7c: {  	_ =	shalt  }

// kernel: kernel.6.cloned.1.call-start
scs
__scs_entry_jumppad:
0x0: {  	(pc) =	sbr.rel $0x88, $3  }
0x1: {  	(tag) =	ssettag $0x0;
	lr =	simm.s32 $0x1  }
0x2: {  	[smem:$0x3F97] =	sst lr;
	_ =	strace $0xD0000000  }
0x3: {  	_ = 	snop  }
0x4: {  	_ = 	snop  }
0x5: {  	_ = 	snop  }
0x6: {  	_ = 	snop  }
0x7: {  	_ = 	snop  }
__scs_overlays_trampoline_lowered:
0x8: {  	[smem:$0x3FA6] =	sst s0  }
0x9: {  	[smem:$0x3FA7] =	sst s1  }
0xa: {  	[smem:$0x3FA8] =	sst s2  }
0xb: {  	[smem:$0x3FA9] =	sst s3  }
0xc: {  	[smem:$0x3FAA] =	sst s4  }
0xd: {  	[smem:$0x3FAB] =	sst s5  }
0xe: {  	[smem:$0x3FAC] =	sst s6  }
0xf: {  	[smem:$0x3FAD] =	sst s7  }
0x10: {  	[smem:$0x3FAE] =	sst s8  }
0x11: {  	[smem:$0x3FAF] =	sst s9;
	s0 =	simm.s32 @!p0 $0x0  }
0x12: {  	s1 =	sld [smem:$0x3F95];
	s0 =	simm.s32 @p0 $0x1  }
0x13: {  	[smem:$0x3FB0] =	sst s0;
	s0 =	simm.s32 @!p1 $0x0  }
0x14: {  	s2 =	sld [smem:$0x3F94];
	s0 =	simm.s32 @p1 $0x1  }
0x15: {  	[smem:$0x3FB1] =	sst s0;
	s0 =	simm.s32 @!p2 $0x0  }
0x16: {  	s3 =	sld [smem:$0x3FDB];
	s0 =	simm.s32 @p2 $0x1  }
0x17: {  	s4 =	simm.s32 $0x1BF5;
	[smem:$0x3FB3] =	sst s0  }
0x18: {  	s0 =	sld [smem:$0x3F96];
	_ =	swait.ge [sflag:s4], $0x0  }
0x19: {  	s7 =	sld [smem:$0x3F97]  }
0x1a: {  	s8 =	sadd.s32 $0xFFFFE003, lr  }
0x1b: {  	s9 =	sadd.s32 $0xFFFFFEF7, lr;
	s5 =	simm.s32 $0xFFFFFFFF;
	p2 =	slt.u32 s8, $0xFFFFF086  }
0x1c: {  	p1 =	slt.u32 s9, $0xF7A;
	s5 =	simm.s32 @!p2 $0x0  }
0x1d: {  	s5 =	simm.s32 @p1 $0x1;
	p0 =	seq.s32 s7, s2  }
0x1e: {  	s7 =	smul.u32 @!p0 $0xF7A, s2;
	p2 =	seq.s32 @!p0 s5, $0x0  }
0x1f: {  	s9 =	smul.u32 $0xF7A, s1;
	s8 =	simm.s32 @!p0 $0x1BF5;
	p2 =	por !p2, p0  }
0x20: {  	[sflag:s8] =	ssyncset.s32 @!p0 $0xFFFFF086;
	s6 =	sadd.s32 @!p0 s3, s7;
	s7 =	simm.s32 @!p0 $0x108  }
0x21: {  	s3 =	sadd.s32 s3, s9;
	s6 =	sadd.s32 @!p0 $0x88, s6;
	s7 =	simm.s32 @p2 $0x1082  }
0x22: {  	[simem:s7], [sflag:s8] =	dma.local @!p0 [hbm:s6], $0xF7A  }
0x23: {  	s9 =	sor.u32 $0xD0000000, s2;
	s6 =	simm.s32 $0x108;
	_ =	swait.ge @!p0 [sflag:s8], $0x0  }
0x24: {  	s3 =	sadd.s32 $0x88, s3;
	s6 =	simm.s32 @!p1 $0x1082;
	[sflag:s4] =	ssyncset.s32 $0xFFFFF086  }
0x25: {  	[simem:s6], [sflag:s4] =	dma.local [hbm:s3], $0xF7A  }
0x26: {  	[smem:$0x3F97] =	sst s1;
	(tag) =	ssettag s2;
	_ =	strace s9  }
0x27: {  	s1 =	sld [smem:$0x3FA7]  }
0x28: {  	s2 =	sld [smem:$0x3FA8]  }
0x29: {  	s4 =	sld [smem:$0x3FAA]  }
0x2a: {  	p0 =	seq.s32 s5, $0x0;
	s5 =	sld [smem:$0x3FAB]  }
0x2b: {  	s6 =	sld [smem:$0x3FAC]  }
0x2c: {  	s7 =	sld [smem:$0x3FAD]  }
0x2d: {  	s3 =	simm.s32 $0x108;
	s8 =	sld [smem:$0x3FAE]  }
0x2e: {  	s3 =	simm.s32 @!p0 $0x1082;
	s9 =	sld [smem:$0x3FAF]  }
0x2f: {  	lr =	sadd.s32 s0, s3;
	s0 =	sld [smem:$0x3FA6]  }
0x30: {  	s3 =	sld [smem:$0x3FA9]  }
0x31: {  	[smem:$0x3FB2] =	sst s10  }
0x32: {  	s10 =	sld [smem:$0x3FB0];
	_ =	sdelay $0x3  }
0x33: {  	p0 =	seq.s32 s10, $0x1;
	s10 =	sld [smem:$0x3FB2];
	_ =	sdelay $0x3  }
0x34: {  	[smem:$0x3FB2] =	sst s10  }
0x35: {  	s10 =	sld [smem:$0x3FB1];
	_ =	sdelay $0x3  }
0x36: {  	p1 =	seq.s32 s10, $0x1;
	s10 =	sld [smem:$0x3FB2];
	_ =	sdelay $0x3  }
0x37: {  	[smem:$0x3FB2] =	sst s10  }
0x38: {  	s10 =	sld [smem:$0x3FB3]  }
0x39: {  	_ = 	snop;
	(pc) =	sbr.ind lr, $3  }
0x3a: {  	_ = 	snop  }
0x3b: {  	_ = 	snop  }
0x3c: {  	p2 =	seq.s32 s10, $0x1;
	s10 =	sld [smem:$0x3FB2]  }
0x3d: {  	_ =	shalt  }
0x3e: {  	_ =	shalt  }
0x3f: {  	_ =	shalt  }
0x40: {  	_ =	shalt  }
0x41: {  	_ =	shalt  }
0x42: {  	_ =	shalt  }
0x43: {  	_ =	shalt  }
0x44: {  	_ =	shalt  }
0x45: {  	_ =	shalt  }
0x46: {  	_ =	shalt  }
0x47: {  	_ =	shalt  }
0x48: {  	_ =	shalt  }
0x49: {  	_ =	shalt  }
0x4a: {  	_ =	shalt  }
0x4b: {  	_ =	shalt  }
0x4c: {  	_ =	shalt  }
0x4d: {  	_ =	shalt  }
0x4e: {  	_ =	shalt  }
0x4f: {  	_ =	shalt  }
0x50: {  	_ =	shalt  }
0x51: {  	_ =	shalt  }
0x52: {  	_ =	shalt  }
0x53: {  	_ =	shalt  }
0x54: {  	_ =	shalt  }
0x55: {  	_ =	shalt  }
0x56: {  	_ =	shalt  }
0x57: {  	_ =	shalt  }
0x58: {  	_ =	shalt  }
0x59: {  	_ =	shalt  }
0x5a: {  	_ =	shalt  }
0x5b: {  	_ =	shalt  }
0x5c: {  	_ =	shalt  }
0x5d: {  	_ =	shalt  }
0x5e: {  	_ =	shalt  }
0x5f: {  	_ =	shalt  }
0x60: {  	_ =	shalt  }
0x61: {  	_ =	shalt  }
0x62: {  	_ =	shalt  }
0x63: {  	_ =	shalt  }
0x64: {  	_ =	shalt  }
0x65: {  	_ =	shalt  }
0x66: {  	_ =	shalt  }
0x67: {  	_ =	shalt  }
0x68: {  	_ =	shalt  }
0x69: {  	_ =	shalt  }
0x6a: {  	_ =	shalt  }
0x6b: {  	_ =	shalt  }
0x6c: {  	_ =	shalt  }
0x6d: {  	_ =	shalt  }
0x6e: {  	_ =	shalt  }
0x6f: {  	_ =	shalt  }
0x70: {  	_ =	shalt  }
0x71: {  	_ =	shalt  }
0x72: {  	_ =	shalt  }
0x73: {  	_ =	shalt  }
0x74: {  	_ =	shalt  }
0x75: {  	_ =	shalt  }
0x76: {  	_ =	shalt  }
0x77: {  	_ =	shalt  }
0x78: {  	_ =	shalt  }
0x79: {  	_ =	shalt  }
0x7a: {  	_ =	shalt  }
0x7b: {  	_ =	shalt  }
0x7c: {  	_ =	shalt  }
0x7d: {  	_ =	shalt  }
0x7e: {  	_ =	shalt  }
0x7f: {  	_ =	shalt  }
0x80: {  	_ =	shalt  }
0x81: {  	_ =	shalt  }
0x82: {  	_ =	shalt  }
0x83: {  	_ =	shalt  }
0x84: {  	_ =	shalt  }
0x85: {  	_ =	shalt  }
0x86: {  	_ =	shalt  }
0x87: {  	_ =	shalt  }
.Lfunc_end0:
.L_simem_size_0:
called_computation_lowered:
.L_overlay_start_0:
0x88: {  	s2 =	sld [smem:$0x3FD9]  }
0x89: {  	s3 =	sld [smem:$0x3FFE];
	_ =	sdelay $0x1  }
0x8a: {  	s1 =	srdreg.scid  }
0x8b: {  	s0 =	sand.u32 $0x1, s1  }
0x8c: {  	s17 =	sshll.u32 s0, $0xA;
	s2 =	sadd.s32 s3, s2  }
0x8d: {  	s2 =	sadd.s32 s2, s17  }
0x8e: {  	[smem:$0x3FBE] =	sst s2  }
0x8f: {  	_ = 	snop  }
0x90: {  	(tm) =	ssettm $0x1  }
0x91: {  	s18 =	sld [smem:$0x3FFB];
	_ =	sdelay $0x3  }
0x92: {  	_ =	strace s18  }
0x93: {  	s2 =	sld [smem:$0x3FFC];
	_ =	sdelay $0x3  }
0x94: {  	_ =	strace s2  }
0x95: {  	s2 =	sld [smem:$0x3FFD];
	_ =	sdelay $0x3  }
0x96: {  	_ =	strace s2  }
0x97: {  	_ =	strace $0x8FFFFFFF  }
0x98: {  	s19 =	sld [smem:$0x3FDB];
	_ =	sdelay $0x1  }
0x99: {  	s20 =	simm.s32 $_scs_section_size  }
0x9a: {  	s4 =	simm.s32 $_size__tile_overlayer_lowered;
	s5 =	simm.s32 $_tile_overlayer_lowered  }
0x9b: {  	s6 =	simm.s32 $0x1BFF;
	s21 =	sshll.u32 s5, $0x1;
	s3 =	sadd.s32 s20, s19  }
0x9c: {  	s22 =	simm.s32 $0x0;
	s4 =	sshll.u32 s4, $0x1;
	s5 =	sadd.s32 s21, s3  }
0x9d: {  	[timem:s22], [sflag:s6] =	dma.local [hbm:s5], s4  }
0x9e: {  	_ =	swait.ge [sflag:s6], s4  }
0x9f: {  	s4 =	ssub.s32 $0x0, s4;
	[sflag:s6] =	ssyncset.done $0x0  }
0xa0: {  	[sflag:s6] =	ssyncadd.s32 s4;
	_ =	sdelay $0x1  }
0xa1: {  	s23 =	simm.s32 $0x1B8B  }
0xa2: {  	_ =	swait.ge [sflag:s23], $0x1  }
0xa3: {  	[sflag:s23] =	ssyncset.done $0x0  }
0xa4: {  	[sflag:s23] =	ssyncadd.s32 $0xFFFFFFFF  }
0xa5: {  	s4 =	sld [smem:$0x0]  }
0xa6: {  	s5 =	sand.u32 $0xFFFFFFFE, s1  }
0xa7: {  	p0 =	sne.s32 s1, s5  }
0xa8: {  	s5 =	sshll.u32 @p0 s5, $0xE  }
0xa9: {  	s5 =	sadd.s32 @p0 $0x11B8D, s5;
	s6 =	sshll.u32 @p0 s4, $0x11  }
0xaa: {  	s5 =	sor.u32 @p0 s6, s5  }
0xab: {  	[sflag:s5] =	ssyncadd.remote.s32 @p0 $0x1;
	_ =	sdelay $0x1  }
0xac: {  	s5 =	simm.s32 @p0 $0x1B8D  }
0xad: {  	_ =	swait.eq @p0 [sflag:s5], $0x1  }
0xae: {  	[sflag:s5] =	ssyncadd.s32 @p0 $0xFFFFFFFF  }
0xaf: {  	s6 =	sshll.u32 @!p0 s1, $0xE  }
0xb0: {  	s6 =	sor.u32 @!p0 $0x4000, s6;
	s5 =	simm.s32 @!p0 $0x1B8D  }
0xb1: {  	s4 =	sshll.u32 @!p0 s4, $0x11;
	s6 =	sadd.s32 @!p0 $0x11B8D, s6;
	_ =	swait.eq @!p0 [sflag:s5], $0x1  }
0xb2: {  	s4 =	sor.u32 @!p0 s4, s6;
	[sflag:s5] =	ssyncadd.s32 @!p0 $0xFFFFFFFF  }
0xb3: {  	s25 =	simm.s32 $0x1B8E;
	s24 =	sld [smem:$0x3FFE];
	[sflag:s4] =	ssyncadd.remote.s32 @!p0 $0x1  }
0xb4: {  	s26 =	simm.s32 $execute0_lowered;
	[smem:$0x3FD2] =	sst s25  }
0xb5: {  	s5 =	sshll.u32 s26, $0x1;
	_ =	strace $0x8000004C;
	[dreg:$0x1] =	wrdreg $0xFFFFFFFF  }
0xb6: {  	s28 =	simm.s32 $_size_execute0_lowered;
	s3 =	sadd.s32 s3, s5;
	[dreg:$0x0] =	wrdreg $0x0  }
0xb7: {  	s5 =	sshll.u32 s28, $0x1;
	[dreg:$0x2] =	wrdreg s3  }
0xb8: {  	[dreg:$0x3] =	wrdreg s5  }
0xb9: {  	[dreg:$0x4] =	wrdreg $0xC0  }
0xba: {  	_ =	task [dreg:s22], $0x5FFFF  }
0xbb: {  	[dreg:$0x1] =	wrdreg $0xFFFFFFFF  }
0xbc: {  	[dreg:$0x0] =	wrdreg $0x60  }
0xbd: {  	[dreg:$0x2] =	wrdreg s24  }
0xbe: {  	[dreg:$0x3] =	wrdreg $0x9  }
0xbf: {  	_ =	task.clear_ibuf [dreg:s22], $0x4FFFF;
	_ =	strace $0x9000004C  }
0xc0: {  	s29 =	simm.s32 $0x9;
	_ =	strace $0x8000004E  }
0xc1: {  	_ =	swait.ge [sflag:s29], $0x1  }
0xc2: {  	[sflag:s29] =	ssyncadd.s32 $0xFFFFFFFF  }
0xc3: {  	_ =	strace $0x9000004E  }
0xc4: {  	_ =	sfence  }
0xc5: {  	s30 =	sld [smem:$0x0];
	_ =	sdelay $0x2  }
0xc6: {  	s31 =	sshll.u32 s1, $0xD;
	s1 =	sshrl.u32 s1, $0x2  }
0xc7: {  	s4 =	sand.u32 $0x4000, s31;
	s1 =	sadd.s32 s1, s30  }
0xc8: {  	s0 =	sor.u32 s4, s0;
	s1 =	sshll.u32 s1, $0x11  }
0xc9: {  	s0 =	sor.u32 s1, s0  }
0xca: {  	s0 =	sadd.s32 $0x8F2B, s0  }
0xcb: {  	[sflag:s0] =	ssyncadd.remote.s32 $0x1  }
0xcc: {  	_ =	sfence.sel $0xFFFF  }
0xcd: {  	[dreg:$0x0] =	wrdreg $0xFFFFFFFF;
	(pc) =	sbr.abs _section_cstart, $3  }
0xce: {  	[dreg:$0x1] =	wrdreg $0xFFFFFFFF  }
0xcf: {  	_ =	task.clear_ibuf [dreg:s22], $0x2FFFF;
	_ =	strace $0x9FFFFFFF  }
0xd0: {  	(tm) =	ssettm $0x7FFFFFFF  }
0xd1: {  	_ =	shalt  }
tec
execute0_lowered:
.L_overlay_start_1:
0x0: {  	(tag) =	ssettag $0x1  }
0x1: {  	s4 =	rddreg [dreg:$0x0]  }
0x2: {  	s0 =	rddreg [dreg:$0x1]  }
0x3: {  	s2 =	simm.s32 $0x0;
	s1 =	stileid.u32;
	s5 =	srdreg.scid  }
0x4: {  	s15 =	simm.s32 $0x200;
	s16 =	simm.s32 $0x1200;
	s17 =	simm.s32 $0x100  }
0x5: {  	s18 =	simm.s32 $0x2200;
	s19 =	simm.s32 $0x180;
	s20 =	simm.s32 $0x3200  }
0x6: {  	s21 =	simm.s32 $0x1;
	s22 =	simm.s32 $0x2;
	s23 =	simm.s32 $0x0  }
0x7: {  	[smem:$0x7FF] =	sst s2;
	s6 =	smul.u32 $0x32000, s1;
	s3 =	sadd.s32 $0x141C00, s4  }
0x8: {  	s5 =	sand.u32 $0x1, s5;
	s7 =	smul.u32 $0xC800, s1;
	s12 =	sadd.s32 $0x512600, s4  }
0x9: {  	s10 =	sadd.s32 $0x52B600, s4;
	s8 =	ssub.s32 $0x2, s5;
	s9 =	smul.u32 $0x6400, s5  }
0xa: {  	_ =	strace $0x8000004D;
	s5 =	smul.u32 $0x19000, s5;
	s26 =	sshrl.u32 s8, $0x1  }
0xb: {  	s6 =	sadd.s32 s6, s10;
	s4 =	ssub.s32 s8, s26;
	s13 =	sadd.s32 s9, s7  }
0xc: {  	s5 =	sadd.s32 s5, s6;
	s4 =	smax.u32 s4, $0x1;
	s28 =	sor.u32 $0x180, s13  }
0xd: {  	s9 =	sor.u32 $0x100, s13;
	s11 =	sor.u32 $0x80, s13;
	s13 =	sshrl.u32 s13, $0x3  }
0xe: {  	s29 =	sshll.u32 s28, $0x2;
	s30 =	sshrl.u32 s28, $0x3;
	s31 =	sshll.u32 s9, $0x2  }
0xf: {  	s9 =	sshrl.u32 s9, $0x3;
	s14 =	sshll.u32 s11, $0x2;
	s11 =	sshrl.u32 s11, $0x3  }
0x10: {  	s6 =	sadd.s32 s29, s10;
	s7 =	sadd.s32 s30, s12;
	s8 =	sadd.s32 s31, s10  }
0x11: {  	s9 =	sadd.s32 s9, s12;
	s10 =	sadd.s32 s14, s10;
	s11 =	sadd.s32 s11, s12  }
0x12: {  	s12 =	sadd.s32 s13, s12;
	s13 =	simm.s32 $0x3;
	s14 =	simm.s32 $0x80  }
.LBB2_1:
0x13: {  	[tilespmem:s2], [sflag:$0x3] =	stream.linear.gather [hbm4b:s12+s2], $0x80, $0x38;
	[tilespmem:$0x4200] =	vst v63  }
0x14: {  	_ =	swait.ge [sflag:s13], $0x80  }
0x15: {  	[sflag:s13] =	ssyncset.done $0x0  }
0x16: {  	[sflag:s13] =	ssyncadd.s32 $0xFFFFFF80  }
0x17: {  	[tilespmem:s15], [sflag:$0x1] =	stream.indirect.gather [hbm4b:s3+s14], $0x20, s2, s14, $0xb8;
	[tilespmem:$0x4200] =	vst v63  }
0x18: {  	_ = 	snop  }
0x19: {  	[tilespmem:s14], [sflag:$0x3] =	stream.linear.gather [hbm4b:s11+s2], $0x80, $0x38;
	[tilespmem:$0x4200] =	vst v63  }
0x1a: {  	_ =	swait.ge [sflag:s13], $0x80  }
0x1b: {  	[sflag:s13] =	ssyncset.done $0x0  }
0x1c: {  	[sflag:s13] =	ssyncadd.s32 $0xFFFFFF80  }
0x1d: {  	[tilespmem:s16], [sflag:$0x1] =	stream.indirect.gather [hbm4b:s3+s14], $0x20, s14, s14, $0xb8;
	[tilespmem:$0x4200] =	vst v63  }
0x1e: {  	_ = 	snop  }
0x1f: {  	[tilespmem:s17], [sflag:$0x3] =	stream.linear.gather [hbm4b:s9+s2], $0x80, $0x38;
	[tilespmem:$0x4200] =	vst v63  }
0x20: {  	_ =	swait.ge [sflag:s13], $0x80  }
0x21: {  	[sflag:s13] =	ssyncset.done $0x0  }
0x22: {  	[sflag:s13] =	ssyncadd.s32 $0xFFFFFF80  }
0x23: {  	[tilespmem:s18], [sflag:$0x1] =	stream.indirect.gather [hbm4b:s3+s14], $0x20, s17, s14, $0xb8;
	[tilespmem:$0x4200] =	vst v63  }
0x24: {  	_ = 	snop  }
0x25: {  	[tilespmem:s19], [sflag:$0x3] =	stream.linear.gather [hbm4b:s7+s2], $0x80, $0x38;
	[tilespmem:$0x4200] =	vst v63  }
0x26: {  	_ =	swait.ge [sflag:s13], $0x80  }
0x27: {  	[sflag:s13] =	ssyncset.done $0x0  }
0x28: {  	[sflag:s13] =	ssyncadd.s32 $0xFFFFFF80  }
0x29: {  	[tilespmem:s20], [sflag:$0x1] =	stream.indirect.gather [hbm4b:s3+s14], $0x20, s19, s14, $0xb8;
	[tilespmem:$0x4200] =	vst v63  }
0x2a: {  	_ =	swait.ge [sflag:s21], $0x1000  }
0x2b: {  	[sflag:s21] =	ssyncset.done $0x0  }
0x2c: {  	s24 =	sadd.s32 $0x0, s5;
	[sflag:s21] =	ssyncadd.s32 $0xFFFFF000  }
0x2d: {  	[hbm4b:s24+s2] =	stream.linear.scatter [tilespmem:s15], [sflag:$0x2], $0x1000, $0x38;
	[tilespmem:$0x4200] =	vst v63  }
0x2e: {  	_ =	swait.ge [sflag:s21], $0x1000  }
0x2f: {  	[sflag:s21] =	ssyncset.done $0x0  }
0x30: {  	s26 =	sadd.s32 $0x0, s10;
	[sflag:s21] =	ssyncadd.s32 $0xFFFFF000  }
0x31: {  	[hbm4b:s26+s2] =	stream.linear.scatter [tilespmem:s16], [sflag:$0x2], $0x1000, $0x38;
	[tilespmem:$0x4200] =	vst v63  }
0x32: {  	_ =	swait.ge [sflag:s21], $0x1000  }
0x33: {  	[sflag:s21] =	ssyncset.done $0x0  }
0x34: {  	s30 =	sadd.s32 $0x0, s8;
	[sflag:s21] =	ssyncadd.s32 $0xFFFFF000  }
0x35: {  	[hbm4b:s30+s2] =	stream.linear.scatter [tilespmem:s18], [sflag:$0x2], $0x1000, $0x38;
	[tilespmem:$0x4200] =	vst v63  }
0x36: {  	_ =	swait.ge [sflag:s21], $0x1000  }
0x37: {  	[sflag:s21] =	ssyncset.done $0x0  }
0x38: {  	s31 =	sadd.s32 $0x0, s6;
	[sflag:s21] =	ssyncadd.s32 $0xFFFFF000  }
0x39: {  	[hbm4b:s31+s2] =	stream.linear.scatter [tilespmem:s20], [sflag:$0x2], $0x1000, $0x38;
	[tilespmem:$0x4200] =	vst v63  }
0x3a: {  	_ =	swait.ge [sflag:s22], $0x1000  }
0x3b: {  	[sflag:s22] =	ssyncset.done $0x0  }
0x3c: {  	[sflag:s22] =	ssyncadd.s32 $0xFFFFF000  }
0x3d: {  	_ =	swait.ge [sflag:s22], $0x1000  }
0x3e: {  	[sflag:s22] =	ssyncset.done $0x0  }
0x3f: {  	[sflag:s22] =	ssyncadd.s32 $0xFFFFF000  }
0x40: {  	_ =	swait.ge [sflag:s22], $0x1000  }
0x41: {  	[sflag:s22] =	ssyncset.done $0x0  }
0x42: {  	s25 =	sadd.s32 $0x40, s11;
	[sflag:s22] =	ssyncadd.s32 $0xFFFFF000  }
0x43: {  	s28 =	smov.u32 s7;
	s29 =	smov.u32 s9;
	_ =	swait.ge [sflag:s22], $0x1000  }
0x44: {  	s24 =	simm.s32 $0x800;
	s26 =	sadd.s32 $0x40, s12;
	[sflag:s22] =	ssyncset.done $0x0  }
.LBB2_2:
0x45: {  	[sflag:s22] =	ssyncadd.s32 $0xFFFFF000  }
0x46: {  	s28 =	sadd.s32 $0x40, s28;
	s29 =	sadd.s32 $0x40, s29;
	s30 =	smov.u32 s24  }
0x47: {  	[tilespmem:s2], [sflag:$0x3] =	stream.linear.gather [hbm4b:s26+s2], $0x80, $0x38;
	[tilespmem:$0x4200] =	vst v63  }
0x48: {  	p0 =	sne.s32 s24, $0x18800;
	s24 =	sadd.s32 $0x800, s24;
	_ =	swait.ge [sflag:s13], $0x80  }
0x49: {  	[sflag:s13] =	ssyncset.done $0x0  }
0x4a: {  	[sflag:s13] =	ssyncadd.s32 $0xFFFFFF80  }
0x4b: {  	[tilespmem:s15], [sflag:$0x1] =	stream.indirect.gather [hbm4b:s3+s14], $0x20, s2, s14, $0xb8;
	[tilespmem:$0x4200] =	vst v63  }
0x4c: {  	_ = 	snop  }
0x4d: {  	[tilespmem:s14], [sflag:$0x3] =	stream.linear.gather [hbm4b:s25+s2], $0x80, $0x38;
	[tilespmem:$0x4200] =	vst v63  }
0x4e: {  	_ =	swait.ge [sflag:s13], $0x80  }
0x4f: {  	[sflag:s13] =	ssyncset.done $0x0  }
0x50: {  	[sflag:s13] =	ssyncadd.s32 $0xFFFFFF80  }
0x51: {  	[tilespmem:s16], [sflag:$0x1] =	stream.indirect.gather [hbm4b:s3+s14], $0x20, s14, s14, $0xb8;
	[tilespmem:$0x4200] =	vst v63  }
0x52: {  	_ = 	snop  }
0x53: {  	[tilespmem:s17], [sflag:$0x3] =	stream.linear.gather [hbm4b:s29+s2], $0x80, $0x38;
	[tilespmem:$0x4200] =	vst v63  }
0x54: {  	_ =	swait.ge [sflag:s13], $0x80  }
0x55: {  	[sflag:s13] =	ssyncset.done $0x0  }
0x56: {  	[sflag:s13] =	ssyncadd.s32 $0xFFFFFF80  }
0x57: {  	[tilespmem:s18], [sflag:$0x1] =	stream.indirect.gather [hbm4b:s3+s14], $0x20, s17, s14, $0xb8;
	[tilespmem:$0x4200] =	vst v63  }
0x58: {  	_ = 	snop  }
0x59: {  	[tilespmem:s19], [sflag:$0x3] =	stream.linear.gather [hbm4b:s28+s2], $0x80, $0x38;
	[tilespmem:$0x4200] =	vst v63  }
0x5a: {  	_ =	swait.ge [sflag:s13], $0x80  }
0x5b: {  	[sflag:s13] =	ssyncset.done $0x0  }
0x5c: {  	[sflag:s13] =	ssyncadd.s32 $0xFFFFFF80  }
0x5d: {  	[tilespmem:s20], [sflag:$0x1] =	stream.indirect.gather [hbm4b:s3+s14], $0x20, s19, s14, $0xb8;
	[tilespmem:$0x4200] =	vst v63  }
0x5e: {  	_ =	swait.ge [sflag:s21], $0x1000  }
0x5f: {  	[sflag:s21] =	ssyncset.done $0x0  }
0x60: {  	s31 =	sadd.s32 s30, s5;
	[sflag:s21] =	ssyncadd.s32 $0xFFFFF000  }
0x61: {  	[hbm4b:s31+s2] =	stream.linear.scatter [tilespmem:s15], [sflag:$0x2], $0x1000, $0x38;
	[tilespmem:$0x4200] =	vst v63  }
0x62: {  	_ =	swait.ge [sflag:s21], $0x1000  }
0x63: {  	[sflag:s21] =	ssyncset.done $0x0  }
0x64: {  	s31 =	sadd.s32 s30, s10;
	[sflag:s21] =	ssyncadd.s32 $0xFFFFF000  }
0x65: {  	[hbm4b:s31+s2] =	stream.linear.scatter [tilespmem:s16], [sflag:$0x2], $0x1000, $0x38;
	[tilespmem:$0x4200] =	vst v63  }
0x66: {  	_ =	swait.ge [sflag:s21], $0x1000  }
0x67: {  	[sflag:s21] =	ssyncset.done $0x0  }
0x68: {  	s31 =	sadd.s32 s30, s8;
	[sflag:s21] =	ssyncadd.s32 $0xFFFFF000  }
0x69: {  	[hbm4b:s31+s2] =	stream.linear.scatter [tilespmem:s18], [sflag:$0x2], $0x1000, $0x38;
	[tilespmem:$0x4200] =	vst v63  }
0x6a: {  	_ =	swait.ge [sflag:s21], $0x1000  }
0x6b: {  	[sflag:s21] =	ssyncset.done $0x0  }
0x6c: {  	s30 =	sadd.s32 s30, s6;
	[sflag:s21] =	ssyncadd.s32 $0xFFFFF000  }
0x6d: {  	[hbm4b:s30+s2] =	stream.linear.scatter [tilespmem:s20], [sflag:$0x2], $0x1000, $0x38;
	[tilespmem:$0x4200] =	vst v63  }
0x6e: {  	_ =	swait.ge [sflag:s22], $0x1000  }
0x6f: {  	[sflag:s22] =	ssyncset.done $0x0  }
0x70: {  	[sflag:s22] =	ssyncadd.s32 $0xFFFFF000  }
0x71: {  	_ =	swait.ge [sflag:s22], $0x1000  }
0x72: {  	[sflag:s22] =	ssyncset.done $0x0  }
0x73: {  	[sflag:s22] =	ssyncadd.s32 $0xFFFFF000  }
.Ltmp0:
0x74: {  	_ =	swait.ge [sflag:s22], $0x1000;
	(pc) =	sbr.rel @p0 .LBB2_2-.Ltmp0, $4  }
0x75: {  	[sflag:s22] =	ssyncset.done $0x0  }
0x76: {  	[sflag:s22] =	ssyncadd.s32 $0xFFFFF000  }
0x77: {  	_ =	swait.ge [sflag:s22], $0x1000  }
0x78: {  	s26 =	sadd.s32 $0x40, s26;
	s25 =	sadd.s32 $0x40, s25;
	[sflag:s22] =	ssyncset.done $0x0  }
0x79: {  	s23 =	sadd.s32 $0x1, s23  }
0x7a: {  	p0 =	sne.s32 s23, s4  }
.Ltmp1:
0x7b: {  	_ = 	snop;
	(pc) =	sbr.rel @p0 .LBB2_1-.Ltmp1, $2  }
0x7c: {  	_ =	sdelay $0x2  }
0x7d: {  	[sflag:s22] =	ssyncadd.s32 $0xFFFFF000  }
0x7e: {  	_ =	sfence.sel $0x180000  }
0x7f: {  	[bflag:$0x0] =	sbarrier.arrive $0xFFFF  }
0x80: {  	p0 =	sne.s32 s1, $0x0;
	_ =	strace $0x9000004D  }
0x81: {  	s0 =	sadd.s32 @!p0 $0x100000, s0;
	[bflag:$0x2] =	sbarrier.arrive $0xFFFF  }
0x82: {  	[sflag:s0] =	ssyncadd.tile.s32 @!p0 $0x1;
	_ =	shalt  }
.Lfunc_end2:
_tile_overlayer_lowered:
.L_overlay_start_2:
0x83: {  	(tag) =	ssettag $0x2  }
0x84: {  	s0 =	rddreg [dreg:$0x0];
	s2 =	stileid.u32  }
0x85: {  	s1 =	rddreg [dreg:$0x1];
	p0 =	sne.s32 s2, $0x0  }
0x86: {  	s3 =	rddreg [dreg:$0x2];
	[bflag:$0x3] =	sbarrier.arrive $0xFFFF;
	s2 =	simm.s32 @!p0 $0x1C03  }
0x87: {  	[timem:s3], [sflag:s2] =	dma.local @!p0 [hbm:s0], s1  }
0x88: {  	s0 =	simm.s32 @!p0 $0x3  }
0x89: {  	_ =	swait.ge @!p0 [sflag:s0], s1  }
0x8a: {  	s1 =	ssub.s32 @!p0 $0x0, s1;
	[sflag:s0] =	ssyncset.done @!p0 $0x0  }
0x8b: {  	[sflag:s0] =	ssyncadd.s32 @!p0 s1  }
0x8c: {  	[bflag:$0x3] =	sbarrier.arrive $0xFFFF  }
0x8d: {  	_ =	shalt  }

// kernel: kernel.9.cloned.1.call-start
scs
__scs_entry_jumppad:
0x0: {  	(pc) =	sbr.rel $0x88, $3  }
0x1: {  	(tag) =	ssettag $0x0;
	lr =	simm.s32 $0x1  }
0x2: {  	[smem:$0x3F97] =	sst lr;
	_ =	strace $0xD0000000  }
0x3: {  	_ = 	snop  }
0x4: {  	_ = 	snop  }
0x5: {  	_ = 	snop  }
0x6: {  	_ = 	snop  }
0x7: {  	_ = 	snop  }
__scs_overlays_trampoline_lowered:
0x8: {  	[smem:$0x3FA6] =	sst s0  }
0x9: {  	[smem:$0x3FA7] =	sst s1  }
0xa: {  	[smem:$0x3FA8] =	sst s2  }
0xb: {  	[smem:$0x3FA9] =	sst s3  }
0xc: {  	[smem:$0x3FAA] =	sst s4  }
0xd: {  	[smem:$0x3FAB] =	sst s5  }
0xe: {  	[smem:$0x3FAC] =	sst s6  }
0xf: {  	[smem:$0x3FAD] =	sst s7  }
0x10: {  	[smem:$0x3FAE] =	sst s8  }
0x11: {  	[smem:$0x3FAF] =	sst s9;
	s0 =	simm.s32 @!p0 $0x0  }
0x12: {  	s1 =	sld [smem:$0x3F95];
	s0 =	simm.s32 @p0 $0x1  }
0x13: {  	[smem:$0x3FB0] =	sst s0;
	s0 =	simm.s32 @!p1 $0x0  }
0x14: {  	s2 =	sld [smem:$0x3F94];
	s0 =	simm.s32 @p1 $0x1  }
0x15: {  	[smem:$0x3FB1] =	sst s0;
	s0 =	simm.s32 @!p2 $0x0  }
0x16: {  	s3 =	sld [smem:$0x3FDB];
	s0 =	simm.s32 @p2 $0x1  }
0x17: {  	s4 =	simm.s32 $0x1BF5;
	[smem:$0x3FB3] =	sst s0  }
0x18: {  	s0 =	sld [smem:$0x3F96];
	_ =	swait.ge [sflag:s4], $0x0  }
0x19: {  	s7 =	sld [smem:$0x3F97]  }
0x1a: {  	s8 =	sadd.s32 $0xFFFFE003, lr  }
0x1b: {  	s9 =	sadd.s32 $0xFFFFFEF7, lr;
	s5 =	simm.s32 $0xFFFFFFFF;
	p2 =	slt.u32 s8, $0xFFFFF086  }
0x1c: {  	p1 =	slt.u32 s9, $0xF7A;
	s5 =	simm.s32 @!p2 $0x0  }
0x1d: {  	s5 =	simm.s32 @p1 $0x1;
	p0 =	seq.s32 s7, s2  }
0x1e: {  	s7 =	smul.u32 @!p0 $0xF7A, s2;
	p2 =	seq.s32 @!p0 s5, $0x0  }
0x1f: {  	s9 =	smul.u32 $0xF7A, s1;
	s8 =	simm.s32 @!p0 $0x1BF5;
	p2 =	por !p2, p0  }
0x20: {  	[sflag:s8] =	ssyncset.s32 @!p0 $0xFFFFF086;
	s6 =	sadd.s32 @!p0 s3, s7;
	s7 =	simm.s32 @!p0 $0x108  }
0x21: {  	s3 =	sadd.s32 s3, s9;
	s6 =	sadd.s32 @!p0 $0x88, s6;
	s7 =	simm.s32 @p2 $0x1082  }
0x22: {  	[simem:s7], [sflag:s8] =	dma.local @!p0 [hbm:s6], $0xF7A  }
0x23: {  	s9 =	sor.u32 $0xD0000000, s2;
	s6 =	simm.s32 $0x108;
	_ =	swait.ge @!p0 [sflag:s8], $0x0  }
0x24: {  	s3 =	sadd.s32 $0x88, s3;
	s6 =	simm.s32 @!p1 $0x1082;
	[sflag:s4] =	ssyncset.s32 $0xFFFFF086  }
0x25: {  	[simem:s6], [sflag:s4] =	dma.local [hbm:s3], $0xF7A  }
0x26: {  	[smem:$0x3F97] =	sst s1;
	(tag) =	ssettag s2;
	_ =	strace s9  }
0x27: {  	s1 =	sld [smem:$0x3FA7]  }
0x28: {  	s2 =	sld [smem:$0x3FA8]  }
0x29: {  	s4 =	sld [smem:$0x3FAA]  }
0x2a: {  	p0 =	seq.s32 s5, $0x0;
	s5 =	sld [smem:$0x3FAB]  }
0x2b: {  	s6 =	sld [smem:$0x3FAC]  }
0x2c: {  	s7 =	sld [smem:$0x3FAD]  }
0x2d: {  	s3 =	simm.s32 $0x108;
	s8 =	sld [smem:$0x3FAE]  }
0x2e: {  	s3 =	simm.s32 @!p0 $0x1082;
	s9 =	sld [smem:$0x3FAF]  }
0x2f: {  	lr =	sadd.s32 s0, s3;
	s0 =	sld [smem:$0x3FA6]  }
0x30: {  	s3 =	sld [smem:$0x3FA9]  }
0x31: {  	[smem:$0x3FB2] =	sst s10  }
0x32: {  	s10 =	sld [smem:$0x3FB0];
	_ =	sdelay $0x3  }
0x33: {  	p0 =	seq.s32 s10, $0x1;
	s10 =	sld [smem:$0x3FB2];
	_ =	sdelay $0x3  }
0x34: {  	[smem:$0x3FB2] =	sst s10  }
0x35: {  	s10 =	sld [smem:$0x3FB1];
	_ =	sdelay $0x3  }
0x36: {  	p1 =	seq.s32 s10, $0x1;
	s10 =	sld [smem:$0x3FB2];
	_ =	sdelay $0x3  }
0x37: {  	[smem:$0x3FB2] =	sst s10  }
0x38: {  	s10 =	sld [smem:$0x3FB3]  }
0x39: {  	_ = 	snop;
	(pc) =	sbr.ind lr, $3  }
0x3a: {  	_ = 	snop  }
0x3b: {  	_ = 	snop  }
0x3c: {  	p2 =	seq.s32 s10, $0x1;
	s10 =	sld [smem:$0x3FB2]  }
0x3d: {  	_ =	shalt  }
0x3e: {  	_ =	shalt  }
0x3f: {  	_ =	shalt  }
0x40: {  	_ =	shalt  }
0x41: {  	_ =	shalt  }
0x42: {  	_ =	shalt  }
0x43: {  	_ =	shalt  }
0x44: {  	_ =	shalt  }
0x45: {  	_ =	shalt  }
0x46: {  	_ =	shalt  }
0x47: {  	_ =	shalt  }
0x48: {  	_ =	shalt  }
0x49: {  	_ =	shalt  }
0x4a: {  	_ =	shalt  }
0x4b: {  	_ =	shalt  }
0x4c: {  	_ =	shalt  }
0x4d: {  	_ =	shalt  }
0x4e: {  	_ =	shalt  }
0x4f: {  	_ =	shalt  }
0x50: {  	_ =	shalt  }
0x51: {  	_ =	shalt  }
0x52: {  	_ =	shalt  }
0x53: {  	_ =	shalt  }
0x54: {  	_ =	shalt  }
0x55: {  	_ =	shalt  }
0x56: {  	_ =	shalt  }
0x57: {  	_ =	shalt  }
0x58: {  	_ =	shalt  }
0x59: {  	_ =	shalt  }
0x5a: {  	_ =	shalt  }
0x5b: {  	_ =	shalt  }
0x5c: {  	_ =	shalt  }
0x5d: {  	_ =	shalt  }
0x5e: {  	_ =	shalt  }
0x5f: {  	_ =	shalt  }
0x60: {  	_ =	shalt  }
0x61: {  	_ =	shalt  }
0x62: {  	_ =	shalt  }
0x63: {  	_ =	shalt  }
0x64: {  	_ =	shalt  }
0x65: {  	_ =	shalt  }
0x66: {  	_ =	shalt  }
0x67: {  	_ =	shalt  }
0x68: {  	_ =	shalt  }
0x69: {  	_ =	shalt  }
0x6a: {  	_ =	shalt  }
0x6b: {  	_ =	shalt  }
0x6c: {  	_ =	shalt  }
0x6d: {  	_ =	shalt  }
0x6e: {  	_ =	shalt  }
0x6f: {  	_ =	shalt  }
0x70: {  	_ =	shalt  }
0x71: {  	_ =	shalt  }
0x72: {  	_ =	shalt  }
0x73: {  	_ =	shalt  }
0x74: {  	_ =	shalt  }
0x75: {  	_ =	shalt  }
0x76: {  	_ =	shalt  }
0x77: {  	_ =	shalt  }
0x78: {  	_ =	shalt  }
0x79: {  	_ =	shalt  }
0x7a: {  	_ =	shalt  }
0x7b: {  	_ =	shalt  }
0x7c: {  	_ =	shalt  }
0x7d: {  	_ =	shalt  }
0x7e: {  	_ =	shalt  }
0x7f: {  	_ =	shalt  }
0x80: {  	_ =	shalt  }
0x81: {  	_ =	shalt  }
0x82: {  	_ =	shalt  }
0x83: {  	_ =	shalt  }
0x84: {  	_ =	shalt  }
0x85: {  	_ =	shalt  }
0x86: {  	_ =	shalt  }
0x87: {  	_ =	shalt  }
.Lfunc_end0:
.L_simem_size_0:
called_computation.1_lowered:
.L_overlay_start_0:
0x88: {  	s2 =	sld [smem:$0x3FD9]  }
0x89: {  	s3 =	sld [smem:$0x3FFE];
	_ =	sdelay $0x1  }
0x8a: {  	s1 =	srdreg.scid  }
0x8b: {  	s0 =	sand.u32 $0x1, s1  }
0x8c: {  	s14 =	sshll.u32 s0, $0xA;
	s2 =	sadd.s32 s3, s2  }
0x8d: {  	s2 =	sadd.s32 s2, s14  }
0x8e: {  	[smem:$0x3FBE] =	sst s2  }
0x8f: {  	_ = 	snop  }
0x90: {  	s2 =	sld [smem:$0x3FD0];
	_ =	sdelay $0x2  }
0x91: {  	s15 =	simm.s32 $0xC;
	s4 =	simm.s32 $0x10  }
0x92: {  	[smem:s4], [sflag:s15] =	dma.local [hbm:s2], $0x1  }
0x93: {  	_ =	swait.eq [sflag:s15], $0x1  }
0x94: {  	[sflag:s15] =	ssyncset.done $0x0  }
0x95: {  	[sflag:s15] =	ssyncadd.s32 $0xFFFFFFFF  }
0x96: {  	s16 =	sld [smem:$0x10];
	(tm) =	ssettm $0x1  }
0x97: {  	s17 =	sld [smem:$0x3FFB];
	_ =	sdelay $0x3  }
0x98: {  	_ =	strace s17  }
0x99: {  	s3 =	sld [smem:$0x3FFC];
	_ =	sdelay $0x3  }
0x9a: {  	_ =	strace s3  }
0x9b: {  	s3 =	sld [smem:$0x3FFD];
	_ =	sdelay $0x3  }
0x9c: {  	_ =	strace s3  }
0x9d: {  	_ =	strace $0x8FFFFFFF  }
0x9e: {  	s18 =	sld [smem:$0x3FDB];
	_ =	sdelay $0x1  }
0x9f: {  	s19 =	simm.s32 $_scs_section_size  }
0xa0: {  	s5 =	simm.s32 $_size__tile_overlayer_lowered;
	s6 =	simm.s32 $_tile_overlayer_lowered  }
0xa1: {  	s22 =	simm.s32 $0x1BFF;
	s21 =	sshll.u32 s6, $0x1;
	s3 =	sadd.s32 s19, s18  }
0xa2: {  	s7 =	simm.s32 $0x0;
	s20 =	sshll.u32 s5, $0x1;
	s5 =	sadd.s32 s21, s3  }
0xa3: {  	[timem:s7], [sflag:s22] =	dma.local [hbm:s5], s20  }
0xa4: {  	_ =	swait.ge [sflag:s22], s20  }
0xa5: {  	s4 =	ssub.s32 $0x0, s20;
	[sflag:s22] =	ssyncset.done $0x0  }
0xa6: {  	[sflag:s22] =	ssyncadd.s32 s4;
	_ =	sdelay $0x1  }
0xa7: {  	s23 =	simm.s32 $0x1B8B  }
0xa8: {  	_ =	swait.ge [sflag:s23], $0x1  }
0xa9: {  	[sflag:s23] =	ssyncset.done $0x0  }
0xaa: {  	s25 =	simm.s32 $0x1B8E;
	s24 =	sld [smem:$0x3FFE];
	[sflag:s23] =	ssyncadd.s32 $0xFFFFFFFF  }
0xab: {  	s26 =	simm.s32 $execute0_lowered;
	[smem:$0x3FD2] =	sst s25  }
0xac: {  	s5 =	sshll.u32 s26, $0x1;
	_ =	strace $0x80000046;
	[dreg:$0x1] =	wrdreg $0xFFFFFFFF  }
0xad: {  	s28 =	simm.s32 $_size_execute0_lowered;
	s3 =	sadd.s32 s3, s5;
	[dreg:$0x0] =	wrdreg $0x0  }
0xae: {  	s5 =	sshll.u32 s28, $0x1;
	[dreg:$0x2] =	wrdreg s3  }
0xaf: {  	[dreg:$0x3] =	wrdreg s5  }
0xb0: {  	[dreg:$0x4] =	wrdreg $0xC0  }
0xb1: {  	_ =	task [dreg:s7], $0x5FFFF  }
0xb2: {  	[dreg:$0x1] =	wrdreg $0xFFFFFFFF  }
0xb3: {  	[dreg:$0x0] =	wrdreg $0x60  }
0xb4: {  	[dreg:$0x2] =	wrdreg s24  }
0xb5: {  	[dreg:$0x3] =	wrdreg s16  }
0xb6: {  	[dreg:$0x4] =	wrdreg $0xA  }
0xb7: {  	_ =	task.clear_ibuf [dreg:s7], $0x5FFFF;
	_ =	strace $0x90000046  }
0xb8: {  	s29 =	simm.s32 $0xA;
	_ =	strace $0x80000048  }
0xb9: {  	_ =	swait.ge [sflag:s29], $0x1  }
0xba: {  	[sflag:s29] =	ssyncadd.s32 $0xFFFFFFFF  }
0xbb: {  	_ =	strace $0x90000048  }
0xbc: {  	_ =	sfence  }
0xbd: {  	s30 =	sld [smem:$0x0];
	_ =	sdelay $0x2  }
0xbe: {  	s31 =	sshll.u32 s1, $0xD;
	s1 =	sshrl.u32 s1, $0x2  }
0xbf: {  	s3 =	sand.u32 $0x4000, s31;
	s1 =	sadd.s32 s1, s30  }
0xc0: {  	s0 =	sor.u32 s3, s0;
	s1 =	sshll.u32 s1, $0x11  }
0xc1: {  	s0 =	sor.u32 s1, s0  }
0xc2: {  	s0 =	sadd.s32 $0x8F2B, s0  }
0xc3: {  	[sflag:s0] =	ssyncadd.remote.s32 $0x1  }
0xc4: {  	_ =	sfence.sel $0xFFFF  }
0xc5: {  	[dreg:$0x0] =	wrdreg $0xFFFFFFFF;
	(pc) =	sbr.abs _section_cstart, $3  }
0xc6: {  	[dreg:$0x1] =	wrdreg $0xFFFFFFFF  }
0xc7: {  	_ =	task.clear_ibuf [dreg:s7], $0x2FFFF;
	_ =	strace $0x9FFFFFFF  }
0xc8: {  	(tm) =	ssettm $0x7FFFFFFF  }
0xc9: {  	_ =	shalt  }
tec
execute0_lowered:
.L_overlay_start_1:
0x0: {  	(tag) =	ssettag $0x1  }
0x1: {  	s4 =	rddreg [dreg:$0x0]  }
0x2: {  	s12 =	rddreg [dreg:$0x1]  }
0x3: {  	s0 =	rddreg [dreg:$0x2];
	s2 =	simm.s32 $0x0;
	s1 =	stileid.u32  }
0x4: {  	s3 =	srdreg.scid;
	s15 =	simm.s32 $0x200;
	s16 =	simm.s32 $0x1200  }
0x5: {  	s17 =	simm.s32 $0x100;
	s18 =	simm.s32 $0x2200;
	s19 =	simm.s32 $0x180  }
0x6: {  	s20 =	simm.s32 $0x3200;
	s21 =	simm.s32 $0x1;
	s22 =	simm.s32 $0x2  }
0x7: {  	s23 =	simm.s32 $0x0;
	[smem:$0x7FF] =	sst s2;
	s5 =	smul.u32 $0x14000, s1  }
0x8: {  	s6 =	sand.u32 $0x1, s3;
	s7 =	smul.u32 $0x5000, s1;
	s3 =	sadd.s32 $0xF44000, s4  }
0x9: {  	s10 =	sadd.s32 $0x1C00, s4;
	s8 =	ssub.s32 $0x2, s6;
	s9 =	smul.u32 $0x2800, s6  }
0xa: {  	_ =	strace $0x80000047;
	s6 =	smul.u32 $0xA000, s6;
	s26 =	sshrl.u32 s8, $0x1  }
0xb: {  	s5 =	sadd.s32 s5, s10;
	s4 =	ssub.s32 s8, s26;
	s13 =	sadd.s32 s9, s7  }
0xc: {  	s5 =	sadd.s32 s6, s5;
	s4 =	smax.u32 s4, $0x1;
	s28 =	sor.u32 $0x180, s13  }
0xd: {  	s9 =	sor.u32 $0x100, s13;
	s11 =	sor.u32 $0x80, s13;
	s13 =	sshrl.u32 s13, $0x3  }
0xe: {  	s29 =	sshll.u32 s28, $0x2;
	s30 =	sshrl.u32 s28, $0x3;
	s31 =	sshll.u32 s9, $0x2  }
0xf: {  	s9 =	sshrl.u32 s9, $0x3;
	s14 =	sshll.u32 s11, $0x2;
	s11 =	sshrl.u32 s11, $0x3  }
0x10: {  	s6 =	sadd.s32 s29, s10;
	s7 =	sadd.s32 s30, s12;
	s8 =	sadd.s32 s31, s10  }
0x11: {  	s9 =	sadd.s32 s9, s12;
	s10 =	sadd.s32 s14, s10;
	s11 =	sadd.s32 s11, s12  }
0x12: {  	s12 =	sadd.s32 s13, s12;
	s13 =	simm.s32 $0x3;
	s14 =	simm.s32 $0x80  }
.LBB2_1:
0x13: {  	[tilespmem:s2], [sflag:$0x3] =	stream.linear.gather [hbm4b:s12+s2], $0x80, $0x38;
	[tilespmem:$0x4200] =	vst v63  }
0x14: {  	_ =	swait.ge [sflag:s13], $0x80  }
0x15: {  	[sflag:s13] =	ssyncset.done $0x0  }
0x16: {  	[sflag:s13] =	ssyncadd.s32 $0xFFFFFF80  }
0x17: {  	[tilespmem:s15], [sflag:$0x1] =	stream.indirect.gather [hbm4b:s3+s14], $0x20, s2, s14, $0xb8;
	[tilespmem:$0x4200] =	vst v63  }
0x18: {  	_ = 	snop  }
0x19: {  	[tilespmem:s14], [sflag:$0x3] =	stream.linear.gather [hbm4b:s11+s2], $0x80, $0x38;
	[tilespmem:$0x4200] =	vst v63  }
0x1a: {  	_ =	swait.ge [sflag:s13], $0x80  }
0x1b: {  	[sflag:s13] =	ssyncset.done $0x0  }
0x1c: {  	[sflag:s13] =	ssyncadd.s32 $0xFFFFFF80  }
0x1d: {  	[tilespmem:s16], [sflag:$0x1] =	stream.indirect.gather [hbm4b:s3+s14], $0x20, s14, s14, $0xb8;
	[tilespmem:$0x4200] =	vst v63  }
0x1e: {  	_ = 	snop  }
0x1f: {  	[tilespmem:s17], [sflag:$0x3] =	stream.linear.gather [hbm4b:s9+s2], $0x80, $0x38;
	[tilespmem:$0x4200] =	vst v63  }
0x20: {  	_ =	swait.ge [sflag:s13], $0x80  }
0x21: {  	[sflag:s13] =	ssyncset.done $0x0  }
0x22: {  	[sflag:s13] =	ssyncadd.s32 $0xFFFFFF80  }
0x23: {  	[tilespmem:s18], [sflag:$0x1] =	stream.indirect.gather [hbm4b:s3+s14], $0x20, s17, s14, $0xb8;
	[tilespmem:$0x4200] =	vst v63  }
0x24: {  	_ = 	snop  }
0x25: {  	[tilespmem:s19], [sflag:$0x3] =	stream.linear.gather [hbm4b:s7+s2], $0x80, $0x38;
	[tilespmem:$0x4200] =	vst v63  }
0x26: {  	_ =	swait.ge [sflag:s13], $0x80  }
0x27: {  	[sflag:s13] =	ssyncset.done $0x0  }
0x28: {  	[sflag:s13] =	ssyncadd.s32 $0xFFFFFF80  }
0x29: {  	[tilespmem:s20], [sflag:$0x1] =	stream.indirect.gather [hbm4b:s3+s14], $0x20, s19, s14, $0xb8;
	[tilespmem:$0x4200] =	vst v63  }
0x2a: {  	_ =	swait.ge [sflag:s21], $0x1000  }
0x2b: {  	[sflag:s21] =	ssyncset.done $0x0  }
0x2c: {  	s24 =	sadd.s32 $0x0, s5;
	[sflag:s21] =	ssyncadd.s32 $0xFFFFF000  }
0x2d: {  	[hbm4b:s24+s2] =	stream.linear.scatter [tilespmem:s15], [sflag:$0x2], $0x1000, $0x38;
	[tilespmem:$0x4200] =	vst v63  }
0x2e: {  	_ =	swait.ge [sflag:s21], $0x1000  }
0x2f: {  	[sflag:s21] =	ssyncset.done $0x0  }
0x30: {  	s26 =	sadd.s32 $0x0, s10;
	[sflag:s21] =	ssyncadd.s32 $0xFFFFF000  }
0x31: {  	[hbm4b:s26+s2] =	stream.linear.scatter [tilespmem:s16], [sflag:$0x2], $0x1000, $0x38;
	[tilespmem:$0x4200] =	vst v63  }
0x32: {  	_ =	swait.ge [sflag:s21], $0x1000  }
0x33: {  	[sflag:s21] =	ssyncset.done $0x0  }
0x34: {  	s30 =	sadd.s32 $0x0, s8;
	[sflag:s21] =	ssyncadd.s32 $0xFFFFF000  }
0x35: {  	[hbm4b:s30+s2] =	stream.linear.scatter [tilespmem:s18], [sflag:$0x2], $0x1000, $0x38;
	[tilespmem:$0x4200] =	vst v63  }
0x36: {  	_ =	swait.ge [sflag:s21], $0x1000  }
0x37: {  	[sflag:s21] =	ssyncset.done $0x0  }
0x38: {  	s31 =	sadd.s32 $0x0, s6;
	[sflag:s21] =	ssyncadd.s32 $0xFFFFF000  }
0x39: {  	[hbm4b:s31+s2] =	stream.linear.scatter [tilespmem:s20], [sflag:$0x2], $0x1000, $0x38;
	[tilespmem:$0x4200] =	vst v63  }
0x3a: {  	_ =	swait.ge [sflag:s22], $0x1000  }
0x3b: {  	[sflag:s22] =	ssyncset.done $0x0  }
0x3c: {  	[sflag:s22] =	ssyncadd.s32 $0xFFFFF000  }
0x3d: {  	_ =	swait.ge [sflag:s22], $0x1000  }
0x3e: {  	[sflag:s22] =	ssyncset.done $0x0  }
0x3f: {  	[sflag:s22] =	ssyncadd.s32 $0xFFFFF000  }
0x40: {  	_ =	swait.ge [sflag:s22], $0x1000  }
0x41: {  	[sflag:s22] =	ssyncset.done $0x0  }
0x42: {  	s25 =	sadd.s32 $0x40, s11;
	[sflag:s22] =	ssyncadd.s32 $0xFFFFF000  }
0x43: {  	s28 =	smov.u32 s7;
	s29 =	smov.u32 s9;
	_ =	swait.ge [sflag:s22], $0x1000  }
0x44: {  	s24 =	simm.s32 $0x800;
	s26 =	sadd.s32 $0x40, s12;
	[sflag:s22] =	ssyncset.done $0x0  }
.LBB2_2:
0x45: {  	[sflag:s22] =	ssyncadd.s32 $0xFFFFF000  }
0x46: {  	s28 =	sadd.s32 $0x40, s28;
	s29 =	sadd.s32 $0x40, s29;
	s30 =	smov.u32 s24  }
0x47: {  	[tilespmem:s2], [sflag:$0x3] =	stream.linear.gather [hbm4b:s26+s2], $0x80, $0x38;
	[tilespmem:$0x4200] =	vst v63  }
0x48: {  	p0 =	sne.s32 s24, $0x9800;
	s24 =	sadd.s32 $0x800, s24;
	_ =	swait.ge [sflag:s13], $0x80  }
0x49: {  	[sflag:s13] =	ssyncset.done $0x0  }
0x4a: {  	[sflag:s13] =	ssyncadd.s32 $0xFFFFFF80  }
0x4b: {  	[tilespmem:s15], [sflag:$0x1] =	stream.indirect.gather [hbm4b:s3+s14], $0x20, s2, s14, $0xb8;
	[tilespmem:$0x4200] =	vst v63  }
0x4c: {  	_ = 	snop  }
0x4d: {  	[tilespmem:s14], [sflag:$0x3] =	stream.linear.gather [hbm4b:s25+s2], $0x80, $0x38;
	[tilespmem:$0x4200] =	vst v63  }
0x4e: {  	_ =	swait.ge [sflag:s13], $0x80  }
0x4f: {  	[sflag:s13] =	ssyncset.done $0x0  }
0x50: {  	[sflag:s13] =	ssyncadd.s32 $0xFFFFFF80  }
0x51: {  	[tilespmem:s16], [sflag:$0x1] =	stream.indirect.gather [hbm4b:s3+s14], $0x20, s14, s14, $0xb8;
	[tilespmem:$0x4200] =	vst v63  }
0x52: {  	_ = 	snop  }
0x53: {  	[tilespmem:s17], [sflag:$0x3] =	stream.linear.gather [hbm4b:s29+s2], $0x80, $0x38;
	[tilespmem:$0x4200] =	vst v63  }
0x54: {  	_ =	swait.ge [sflag:s13], $0x80  }
0x55: {  	[sflag:s13] =	ssyncset.done $0x0  }
0x56: {  	[sflag:s13] =	ssyncadd.s32 $0xFFFFFF80  }
0x57: {  	[tilespmem:s18], [sflag:$0x1] =	stream.indirect.gather [hbm4b:s3+s14], $0x20, s17, s14, $0xb8;
	[tilespmem:$0x4200] =	vst v63  }
0x58: {  	_ = 	snop  }
0x59: {  	[tilespmem:s19], [sflag:$0x3] =	stream.linear.gather [hbm4b:s28+s2], $0x80, $0x38;
	[tilespmem:$0x4200] =	vst v63  }
0x5a: {  	_ =	swait.ge [sflag:s13], $0x80  }
0x5b: {  	[sflag:s13] =	ssyncset.done $0x0  }
0x5c: {  	[sflag:s13] =	ssyncadd.s32 $0xFFFFFF80  }
0x5d: {  	[tilespmem:s20], [sflag:$0x1] =	stream.indirect.gather [hbm4b:s3+s14], $0x20, s19, s14, $0xb8;
	[tilespmem:$0x4200] =	vst v63  }
0x5e: {  	_ =	swait.ge [sflag:s21], $0x1000  }
0x5f: {  	[sflag:s21] =	ssyncset.done $0x0  }
0x60: {  	s31 =	sadd.s32 s30, s5;
	[sflag:s21] =	ssyncadd.s32 $0xFFFFF000  }
0x61: {  	[hbm4b:s31+s2] =	stream.linear.scatter [tilespmem:s15], [sflag:$0x2], $0x1000, $0x38;
	[tilespmem:$0x4200] =	vst v63  }
0x62: {  	_ =	swait.ge [sflag:s21], $0x1000  }
0x63: {  	[sflag:s21] =	ssyncset.done $0x0  }
0x64: {  	s31 =	sadd.s32 s30, s10;
	[sflag:s21] =	ssyncadd.s32 $0xFFFFF000  }
0x65: {  	[hbm4b:s31+s2] =	stream.linear.scatter [tilespmem:s16], [sflag:$0x2], $0x1000, $0x38;
	[tilespmem:$0x4200] =	vst v63  }
0x66: {  	_ =	swait.ge [sflag:s21], $0x1000  }
0x67: {  	[sflag:s21] =	ssyncset.done $0x0  }
0x68: {  	s31 =	sadd.s32 s30, s8;
	[sflag:s21] =	ssyncadd.s32 $0xFFFFF000  }
0x69: {  	[hbm4b:s31+s2] =	stream.linear.scatter [tilespmem:s18], [sflag:$0x2], $0x1000, $0x38;
	[tilespmem:$0x4200] =	vst v63  }
0x6a: {  	_ =	swait.ge [sflag:s21], $0x1000  }
0x6b: {  	[sflag:s21] =	ssyncset.done $0x0  }
0x6c: {  	s30 =	sadd.s32 s30, s6;
	[sflag:s21] =	ssyncadd.s32 $0xFFFFF000  }
0x6d: {  	[hbm4b:s30+s2] =	stream.linear.scatter [tilespmem:s20], [sflag:$0x2], $0x1000, $0x38;
	[tilespmem:$0x4200] =	vst v63  }
0x6e: {  	_ =	swait.ge [sflag:s22], $0x1000  }
0x6f: {  	[sflag:s22] =	ssyncset.done $0x0  }
0x70: {  	[sflag:s22] =	ssyncadd.s32 $0xFFFFF000  }
0x71: {  	_ =	swait.ge [sflag:s22], $0x1000  }
0x72: {  	[sflag:s22] =	ssyncset.done $0x0  }
0x73: {  	[sflag:s22] =	ssyncadd.s32 $0xFFFFF000  }
.Ltmp0:
0x74: {  	_ =	swait.ge [sflag:s22], $0x1000;
	(pc) =	sbr.rel @p0 .LBB2_2-.Ltmp0, $4  }
0x75: {  	[sflag:s22] =	ssyncset.done $0x0  }
0x76: {  	[sflag:s22] =	ssyncadd.s32 $0xFFFFF000  }
0x77: {  	_ =	swait.ge [sflag:s22], $0x1000  }
0x78: {  	s26 =	sadd.s32 $0x40, s26;
	s25 =	sadd.s32 $0x40, s25;
	[sflag:s22] =	ssyncset.done $0x0  }
0x79: {  	s23 =	sadd.s32 $0x1, s23  }
0x7a: {  	p0 =	sne.s32 s23, s4  }
.Ltmp1:
0x7b: {  	_ = 	snop;
	(pc) =	sbr.rel @p0 .LBB2_1-.Ltmp1, $2  }
0x7c: {  	_ =	sdelay $0x2  }
0x7d: {  	[sflag:s22] =	ssyncadd.s32 $0xFFFFF000  }
0x7e: {  	_ =	sfence.sel $0x180000  }
0x7f: {  	[bflag:$0x0] =	sbarrier.arrive $0xFFFF  }
0x80: {  	p0 =	sne.s32 s1, $0x0;
	_ =	strace $0x90000047  }
0x81: {  	s0 =	sadd.s32 @!p0 $0x100000, s0;
	[bflag:$0x2] =	sbarrier.arrive $0xFFFF  }
0x82: {  	[sflag:s0] =	ssyncadd.tile.s32 @!p0 $0x1;
	_ =	shalt  }
.Lfunc_end2:
_tile_overlayer_lowered:
.L_overlay_start_2:
0x83: {  	(tag) =	ssettag $0x2  }
0x84: {  	s0 =	rddreg [dreg:$0x0];
	s2 =	stileid.u32  }
0x85: {  	s1 =	rddreg [dreg:$0x1];
	p0 =	sne.s32 s2, $0x0  }
0x86: {  	s3 =	rddreg [dreg:$0x2];
	[bflag:$0x3] =	sbarrier.arrive $0xFFFF;
	s2 =	simm.s32 @!p0 $0x1C03  }
0x87: {  	[timem:s3], [sflag:s2] =	dma.local @!p0 [hbm:s0], s1  }
0x88: {  	s0 =	simm.s32 @!p0 $0x3  }
0x89: {  	_ =	swait.ge @!p0 [sflag:s0], s1  }
0x8a: {  	s1 =	ssub.s32 @!p0 $0x0, s1;
	[sflag:s0] =	ssyncset.done @!p0 $0x0  }
0x8b: {  	[sflag:s0] =	ssyncadd.s32 @!p0 s1  }
0x8c: {  	[bflag:$0x3] =	sbarrier.arrive $0xFFFF  }
0x8d: {  	_ =	shalt  }

</sc_bundles>
